<compile_context>
chip_gen: v7x
topology: tpu7x:2x2x1
jax: 0.10.2.dev20260603
libtpu: 0.0.44.dev20260713+nightly
codegen_flags: <defaults>
</compile_context>

<pallas_src>
import functools

import jax
import jax.numpy as jnp
from jax import lax
from jax.experimental import pallas as pl
from jax.experimental.pallas import tpu as pltpu
from jax.experimental.pallas import tpu_sc as plsc

_N = 10000
_E = 320000
_D = 128
_R = 8

_NC = 2
_NS = 16
_NW = _NC * _NS
_CH = 125
_NCHUNK = 80
_NPAD = 10240
_RPT = _NPAD // _NS

_BLK = 400
_GRID = _N // _BLK



def _l0_body(x_ref, w_ref, wself_ref, xw_ref, self_ref):
    x = x_ref[...]
    for r in range(_R):
        xw_ref[:, r, :] = jnp.dot(x, w_ref[r],
                                  preferred_element_type=jnp.float32)
    self_ref[...] = jnp.dot(x, wself_ref[...],
                            preferred_element_type=jnp.float32)


def _flat_body(src_ref, typ_ref, gidx_ref):
    gidx_ref[...] = src_ref[...] * _R + typ_ref[...]


def _tc_flat_idx(src2d, typ2d):
    return pl.pallas_call(
        _flat_body,
        out_shape=jax.ShapeDtypeStruct((_E // 128, 128), jnp.int32),
    )(src2d, typ2d)


def _mid_body(x_ref, self0_ref, parts_ref, b0_ref, w_ref, wself_ref,
              xw_ref, self_ref):
    h = x_ref[...] + self0_ref[...] + parts_ref[0] + parts_ref[1]
    h = jnp.maximum(h, 0.0) + b0_ref[...]
    self_ref[...] = jnp.dot(h, wself_ref[...],
                            preferred_element_type=jnp.float32)
    for r in range(_R):
        xw_ref[:, r, :] = jnp.dot(h, w_ref[r],
                                  preferred_element_type=jnp.float32)


def _fin_body(self1_ref, parts_ref, b1_ref, o_ref):
    o_ref[...] = self1_ref[...] + parts_ref[0] + parts_ref[1] + b1_ref[...]


def _tc_layer0(x, W, wself):
    return pl.pallas_call(
        _l0_body,
        grid=(_GRID,),
        in_specs=[
            pl.BlockSpec((_BLK, _D), lambda i: (i, 0)),
            pl.BlockSpec((_R, _D, _D), lambda i: (0, 0, 0)),
            pl.BlockSpec((_D, _D), lambda i: (0, 0)),
        ],
        out_specs=[
            pl.BlockSpec((_BLK, _R, _D), lambda i: (i, 0, 0)),
            pl.BlockSpec((_BLK, _D), lambda i: (i, 0)),
        ],
        out_shape=[
            jax.ShapeDtypeStruct((_N, _R, _D), jnp.float32),
            jax.ShapeDtypeStruct((_N, _D), jnp.float32),
        ],
    )(x, W, wself)


def _tc_mid(x, self0, parts, b0row, W, wself):
    return pl.pallas_call(
        _mid_body,
        grid=(_GRID,),
        in_specs=[
            pl.BlockSpec((_BLK, _D), lambda i: (i, 0)),
            pl.BlockSpec((_BLK, _D), lambda i: (i, 0)),
            pl.BlockSpec((_NC, _BLK, _D), lambda i: (0, i, 0)),
            pl.BlockSpec((1, _D), lambda i: (0, 0)),
            pl.BlockSpec((_R, _D, _D), lambda i: (0, 0, 0)),
            pl.BlockSpec((_D, _D), lambda i: (0, 0)),
        ],
        out_specs=[
            pl.BlockSpec((_BLK, _R, _D), lambda i: (i, 0, 0)),
            pl.BlockSpec((_BLK, _D), lambda i: (i, 0)),
        ],
        out_shape=[
            jax.ShapeDtypeStruct((_N, _R, _D), jnp.float32),
            jax.ShapeDtypeStruct((_N, _D), jnp.float32),
        ],
    )(x, self0, parts, b0row, W, wself)


def _tc_final(self1, parts, b1row):
    return pl.pallas_call(
        _fin_body,
        grid=(_GRID,),
        in_specs=[
            pl.BlockSpec((_BLK, _D), lambda i: (i, 0)),
            pl.BlockSpec((_NC, _BLK, _D), lambda i: (0, i, 0)),
            pl.BlockSpec((1, _D), lambda i: (0, 0)),
        ],
        out_specs=pl.BlockSpec((_BLK, _D), lambda i: (i, 0)),
        out_shape=jax.ShapeDtypeStruct((_N, _D), jnp.float32),
    )(self1, parts, b1row)



def _make_sc_kernel():
    mesh = plsc.VectorSubcoreMesh(core_axis_name="c", subcore_axis_name="s")

    def body(table, gidx, didx, zinit, out, gidx_v, didx_v, rows, agg_s,
             sem0, sem1):
        c = lax.axis_index("c")
        s = lax.axis_index("s")
        wid = s * _NC + c
        rows0 = rows.at[0]
        rows1 = rows.at[1]
        hc = _NCHUNK // 2
        pltpu.sync_copy(zinit.at[pl.ds(s * _RPT, _RPT)],
                        agg_s.at[pl.ds(s * _RPT, _RPT)])
        plsc.subcore_barrier()

        for h in range(2):
            pltpu.sync_copy(gidx.at[wid].at[pl.ds(h * hc, hc)], gidx_v)
            pltpu.sync_copy(didx.at[wid].at[pl.ds(h * hc, hc)], didx_v)
            pltpu.async_copy(table.at[gidx_v.at[0]], rows0, sem0)
            pltpu.async_copy(table.at[gidx_v.at[1]], rows1, sem1)

            @pl.loop(0, hc, step=2)
            def _chunk(j):
                pltpu.make_async_copy(table.at[gidx_v.at[j]], rows0,
                                      sem0).wait()
                pltpu.sync_copy(rows0, agg_s.at[didx_v.at[j]], add=True)

                @pl.when(j + 2 < hc)
                def _next0():
                    pltpu.async_copy(table.at[gidx_v.at[j + 2]], rows0, sem0)

                pltpu.make_async_copy(table.at[gidx_v.at[j + 1]], rows1,
                                      sem1).wait()
                pltpu.sync_copy(rows1, agg_s.at[didx_v.at[j + 1]], add=True)

                @pl.when(j + 3 < hc)
                def _next1():
                    pltpu.async_copy(table.at[gidx_v.at[j + 3]], rows1, sem1)

        plsc.subcore_barrier()
        pltpu.sync_copy(agg_s.at[pl.ds(s * _RPT, _RPT)],
                        out.at[c, pl.ds(s * _RPT, _RPT)])

    return pl.kernel(
        body,
        out_type=jax.ShapeDtypeStruct((_NC, _NPAD, _D), jnp.float32),
        mesh=mesh,
        scratch_types=[
            pltpu.VMEM((_NCHUNK // 2, _CH), jnp.int32),
            pltpu.VMEM((_NCHUNK // 2, _CH), jnp.int32),
            pltpu.VMEM((2, _CH, _D), jnp.float32),
            pltpu.VMEM_SHARED((_NPAD, _D), jnp.float32),
            pltpu.SemaphoreType.DMA,
            pltpu.SemaphoreType.DMA,
        ],
    )


@functools.cache
def _sc_kernel_cached():
    return _make_sc_kernel()


def _sc_gather_scatter(table, gidx, didx, zinit):
    return _sc_kernel_cached()(table, gidx, didx, zinit)



def kernel(x, edge_index, edge_type, W0, self_w0, b0, W1, self_w1, b1):
    src2d = edge_index[0].reshape(_E // 128, 128)
    typ2d = edge_type.reshape(_E // 128, 128)
    b0row = b0.reshape(1, _D)
    b1row = b1.reshape(1, _D)
    zinit = jnp.zeros((_NPAD, _D), jnp.float32)

    xw0, self0 = _tc_layer0(x, W0, self_w0)
    gidx = _tc_flat_idx(src2d, typ2d).reshape(_NW, _NCHUNK, _CH)
    didx = edge_index[1].reshape(_NW, _NCHUNK, _CH)

    parts0 = _sc_gather_scatter(xw0.reshape(_N * _R, _D), gidx, didx, zinit)

    xw1, self1 = _tc_mid(x, self0, parts0, b0row, W1, self_w1)
    parts1 = _sc_gather_scatter(xw1.reshape(_N * _R, _D), gidx, didx, zinit)

    return _tc_final(self1, parts1, b1row)

# --- scband reference (transcript-rebuilt; emitter-appended) ---
"""Pipeline reference for scband-rgcn-65025804861440 (READ-ONLY COPY).

The authoritative reference and input builder live on the scoring server;
editing this copy changes nothing except your own understanding.
"""

import jax, jax.numpy as jnp
import numpy as np

N = 10000
E = 320000
D = 128
R = 8


def setup_inputs(seed: int = 0) -> dict:
    key = jax.random.key(seed)
    ks = jax.random.split(key, 9)
    x = jax.random.normal(ks[0], (N, D), dtype=jnp.float32)
    edge_index = jax.random.randint(ks[1], (2, E), 0, N, dtype=jnp.int32)
    edge_type = jax.random.randint(ks[2], (E,), 0, R, dtype=jnp.int32)
    # Xavier-uniform-style init for weights, zeros for bias (matches reset_parameters)
    def xavier(k, shape):
        fan_in, fan_out = shape[-2], shape[-1]
        limit = float(np.sqrt(6.0 / (fan_in + fan_out)))
        return jax.random.uniform(k, shape, minval=-limit, maxval=limit, dtype=jnp.float32)
    W0 = xavier(ks[3], (R, D, D))
    self_w0 = xavier(ks[4], (D, D))
    b0 = jnp.zeros((D,), dtype=jnp.float32)
    W1 = xavier(ks[5], (R, D, D))
    self_w1 = xavier(ks[6], (D, D))
    b1 = jnp.zeros((D,), dtype=jnp.float32)
    return {"x": x, "edge_index": edge_index, "edge_type": edge_type,
            "W0": W0, "self_w0": self_w0, "b0": b0,
            "W1": W1, "self_w1": self_w1, "b1": b1}


def _rgcn_layer(x, edge_index, edge_type, W, self_w, bias, residual, act):
    # self transform
    out = x @ self_w
    # message: x_j @ W[edge_type]  (computed as per-node-per-relation transform, then edge gather)
    xW = jnp.einsum('nd,rdo->nro', x, W)
    msg = xW[edge_index[0], edge_type]
    # aggregate: scatter-add onto destination nodes (aggr='add')
    agg = jax.ops.segment_sum(msg, edge_index[1], num_segments=x.shape[0])
    out = out + agg
    if residual:
        out = out + x  # res_fc is Identity since in_channels == out_channels
    if act:
        out = jax.nn.relu(out)
    out = out + bias
    return out


def reference(x, edge_index, edge_type, W0, self_w0, b0, W1, self_w1, b1):
    # layer 0: activation=relu, residual=True, bias, no norm; dropout p=0.0 is a no-op
    h = _rgcn_layer(x, edge_index, edge_type, W0, self_w0, b0, True, True)
    # layer 1 (last, encoding=False): no activation, no residual, bias, no norm
    h = _rgcn_layer(h, edge_index, edge_type, W1, self_w1, b1, False, False)
    return h

if __name__ == "__main__":
    import jax
    _d = setup_inputs()
    print(jax.jit(kernel)(*tuple(_d.values())))

</pallas_src>

<mosaic_0001>
#map = affine_map<(d0, d1) -> (0, 0)>
#map1 = affine_map<(d0, d1) -> (0, 0, 0)>
module attributes {stable_mosaic.version = 14 : i64} {
  func.func @body(%arg0: i32, %arg1: i32, %arg2: memref<80000x128xf32, #tpu.memory_space<hbm>>, %arg3: memref<32x80x125xi32, #tpu.memory_space<hbm>>, %arg4: memref<32x80x125xi32, #tpu.memory_space<hbm>>, %arg5: memref<10240x128xf32, #tpu.memory_space<hbm>>, %arg6: memref<2x10240x128xf32, #tpu.memory_space<hbm>>, %arg7: memref<40x125xi32, #tpu.memory_space<vmem>>, %arg8: memref<40x125xi32, #tpu.memory_space<vmem>>, %arg9: memref<2x125x128xf32, #tpu.memory_space<vmem>>, %arg10: memref<10240x128xf32, #tpu.memory_space<vmem_shared>>, %arg11: memref<!tpu.dma_semaphore, #tpu.memory_space<semaphore_mem>>, %arg12: memref<!tpu.dma_semaphore, #tpu.memory_space<semaphore_mem>>) attributes {dimension_semantics = [#tpu.dimension_semantics<core_parallel>, #tpu.dimension_semantics<subcore_parallel>], iteration_bounds = array<i64: 2, 16>, scalar_prefetch = 0 : i64, scratch_operands = 6 : i64, tpu.core_type = #tpu.core_type<sc_vector_subcore>, window_params = [{transform_indices = #map}, {transform_indices = #map1}, {transform_indices = #map1}, {transform_indices = #map}, {transform_indices = #map1}]} {
    %mul3A = arith.constant 2 : i32
    %mul3A_0 = arith.muli %arg1, %mul3A : i32
    %add3A = arith.addi %mul3A_0, %arg0 : i32
    %mul3A_1 = arith.constant 640 : i32
    %mul3A_2 = arith.muli %arg1, %mul3A_1 : i32
    %mul3A_3 = arith.constant 640 : i32
    %mul3A_4 = arith.muli %arg1, %mul3A_3 : i32
    "tpu.region"() ({
      %run_scoped3A = tpu.sem_alloc : memref<!tpu.dma_semaphore, #tpu.memory_space<semaphore_mem>>
      %dma_start3A_70 = arith.constant 0 : i32
      %dma_start3A_71 = tpu.memref_slice %arg10[%mul3A_4, %dma_start3A_70] : memref<10240x128xf32, #tpu.memory_space<vmem_shared>> -> memref<640x128xf32, #tpu.memory_space<vmem_shared>>
      %dma_start3A_72 = arith.constant 0 : i32
      %dma_start3A_73 = tpu.memref_slice %arg5[%mul3A_2, %dma_start3A_72] : memref<10240x128xf32, #tpu.memory_space<hbm>> -> memref<640x128xf32, #tpu.memory_space<hbm>>
      tpu.enqueue_dma source(%dma_start3A_73 : memref<640x128xf32, #tpu.memory_space<hbm>>) target(%dma_start3A_71 : memref<640x128xf32, #tpu.memory_space<vmem_shared>>) target_semaphore(%run_scoped3A : memref<!tpu.dma_semaphore, #tpu.memory_space<semaphore_mem>>)
      %dma_wait3A = arith.constant 0 : i32
      %dma_wait3A_74 = tpu.memref_slice %arg10[%mul3A_4, %dma_wait3A] : memref<10240x128xf32, #tpu.memory_space<vmem_shared>> -> memref<640x128xf32, #tpu.memory_space<vmem_shared>>
      %dma_wait3A_75 = arith.constant 0 : i32
      %dma_wait3A_76 = tpu.memref_slice %arg5[%mul3A_2, %dma_wait3A_75] : memref<10240x128xf32, #tpu.memory_space<hbm>> -> memref<640x128xf32, #tpu.memory_space<hbm>>
      tpu.wait_dma2 semaphore(%run_scoped3A : memref<!tpu.dma_semaphore, #tpu.memory_space<semaphore_mem>>) src(%dma_wait3A_76 : memref<640x128xf32, #tpu.memory_space<hbm>>) dst(%dma_wait3A_74 : memref<640x128xf32, #tpu.memory_space<vmem_shared>>)
      tpu.yield
    }) : () -> ()
    %barrier3A = arith.constant 0 : index
    tpu.barrier barrier_id(%barrier3A)
    "tpu.region"() ({
      %run_scoped3A = tpu.sem_alloc : memref<!tpu.dma_semaphore, #tpu.memory_space<semaphore_mem>>
      %dma_start3A_70 = arith.constant 0 : i32
      %dma_start3A_71 = arith.constant 0 : i32
      %dma_start3A_72 = tpu.memref_slice %arg3[%add3A, %dma_start3A_70, %dma_start3A_71] : memref<32x80x125xi32, #tpu.memory_space<hbm>> -> memref<1x80x125xi32, #tpu.memory_space<hbm>>
      %dma_start3A_73 = tpu.memref_squeeze %dma_start3A_72 : memref<1x80x125xi32, #tpu.memory_space<hbm>> -> memref<80x125xi32, #tpu.memory_space<hbm>>
      %dma_start3A_74 = arith.constant 0 : i32
      %dma_start3A_75 = arith.constant 0 : i32
      %dma_start3A_76 = tpu.memref_slice %dma_start3A_73[%dma_start3A_74, %dma_start3A_75] : memref<80x125xi32, #tpu.memory_space<hbm>> -> memref<40x125xi32, #tpu.memory_space<hbm>>
      %dma_start3A_77 = arith.constant 0 : i32
      %dma_start3A_78 = arith.constant 0 : i32
      %dma_start3A_79 = tpu.memref_slice %arg3[%add3A, %dma_start3A_77, %dma_start3A_78] : memref<32x80x125xi32, #tpu.memory_space<hbm>> -> memref<1x80x125xi32, #tpu.memory_space<hbm>>
      %dma_start3A_80 = tpu.memref_squeeze %dma_start3A_79 : memref<1x80x125xi32, #tpu.memory_space<hbm>> -> memref<80x125xi32, #tpu.memory_space<hbm>>
      %dma_start3A_81 = arith.constant 0 : i32
      %dma_start3A_82 = arith.constant 0 : i32
      %dma_start3A_83 = tpu.memref_slice %dma_start3A_80[%dma_start3A_81, %dma_start3A_82] : memref<80x125xi32, #tpu.memory_space<hbm>> -> memref<40x125xi32, #tpu.memory_space<hbm>>
      tpu.enqueue_dma source(%dma_start3A_83 : memref<40x125xi32, #tpu.memory_space<hbm>>) target(%arg7 : memref<40x125xi32, #tpu.memory_space<vmem>>) target_semaphore(%run_scoped3A : memref<!tpu.dma_semaphore, #tpu.memory_space<semaphore_mem>>)
      %dma_wait3A = arith.constant 0 : i32
      %dma_wait3A_84 = arith.constant 0 : i32
      %dma_wait3A_85 = tpu.memref_slice %arg3[%add3A, %dma_wait3A, %dma_wait3A_84] : memref<32x80x125xi32, #tpu.memory_space<hbm>> -> memref<1x80x125xi32, #tpu.memory_space<hbm>>
      %dma_wait3A_86 = tpu.memref_squeeze %dma_wait3A_85 : memref<1x80x125xi32, #tpu.memory_space<hbm>> -> memref<80x125xi32, #tpu.memory_space<hbm>>
      %dma_wait3A_87 = arith.constant 0 : i32
      %dma_wait3A_88 = arith.constant 0 : i32
      %dma_wait3A_89 = tpu.memref_slice %dma_wait3A_86[%dma_wait3A_87, %dma_wait3A_88] : memref<80x125xi32, #tpu.memory_space<hbm>> -> memref<40x125xi32, #tpu.memory_space<hbm>>
      %dma_wait3A_90 = arith.constant 0 : i32
      %dma_wait3A_91 = arith.constant 0 : i32
      %dma_wait3A_92 = tpu.memref_slice %arg3[%add3A, %dma_wait3A_90, %dma_wait3A_91] : memref<32x80x125xi32, #tpu.memory_space<hbm>> -> memref<1x80x125xi32, #tpu.memory_space<hbm>>
      %dma_wait3A_93 = tpu.memref_squeeze %dma_wait3A_92 : memref<1x80x125xi32, #tpu.memory_space<hbm>> -> memref<80x125xi32, #tpu.memory_space<hbm>>
      %dma_wait3A_94 = arith.constant 0 : i32
      %dma_wait3A_95 = arith.constant 0 : i32
      %dma_wait3A_96 = tpu.memref_slice %dma_wait3A_93[%dma_wait3A_94, %dma_wait3A_95] : memref<80x125xi32, #tpu.memory_space<hbm>> -> memref<40x125xi32, #tpu.memory_space<hbm>>
      tpu.wait_dma2 semaphore(%run_scoped3A : memref<!tpu.dma_semaphore, #tpu.memory_space<semaphore_mem>>) src(%dma_wait3A_96 : memref<40x125xi32, #tpu.memory_space<hbm>>) dst(%arg7 : memref<40x125xi32, #tpu.memory_space<vmem>>)
      tpu.yield
    }) : () -> ()
    "tpu.region"() ({
      %run_scoped3A = tpu.sem_alloc : memref<!tpu.dma_semaphore, #tpu.memory_space<semaphore_mem>>
      %dma_start3A_70 = arith.constant 0 : i32
      %dma_start3A_71 = arith.constant 0 : i32
      %dma_start3A_72 = tpu.memref_slice %arg4[%add3A, %dma_start3A_70, %dma_start3A_71] : memref<32x80x125xi32, #tpu.memory_space<hbm>> -> memref<1x80x125xi32, #tpu.memory_space<hbm>>
      %dma_start3A_73 = tpu.memref_squeeze %dma_start3A_72 : memref<1x80x125xi32, #tpu.memory_space<hbm>> -> memref<80x125xi32, #tpu.memory_space<hbm>>
      %dma_start3A_74 = arith.constant 0 : i32
      %dma_start3A_75 = arith.constant 0 : i32
      %dma_start3A_76 = tpu.memref_slice %dma_start3A_73[%dma_start3A_74, %dma_start3A_75] : memref<80x125xi32, #tpu.memory_space<hbm>> -> memref<40x125xi32, #tpu.memory_space<hbm>>
      %dma_start3A_77 = arith.constant 0 : i32
      %dma_start3A_78 = arith.constant 0 : i32
      %dma_start3A_79 = tpu.memref_slice %arg4[%add3A, %dma_start3A_77, %dma_start3A_78] : memref<32x80x125xi32, #tpu.memory_space<hbm>> -> memref<1x80x125xi32, #tpu.memory_space<hbm>>
      %dma_start3A_80 = tpu.memref_squeeze %dma_start3A_79 : memref<1x80x125xi32, #tpu.memory_space<hbm>> -> memref<80x125xi32, #tpu.memory_space<hbm>>
      %dma_start3A_81 = arith.constant 0 : i32
      %dma_start3A_82 = arith.constant 0 : i32
      %dma_start3A_83 = tpu.memref_slice %dma_start3A_80[%dma_start3A_81, %dma_start3A_82] : memref<80x125xi32, #tpu.memory_space<hbm>> -> memref<40x125xi32, #tpu.memory_space<hbm>>
      tpu.enqueue_dma source(%dma_start3A_83 : memref<40x125xi32, #tpu.memory_space<hbm>>) target(%arg8 : memref<40x125xi32, #tpu.memory_space<vmem>>) target_semaphore(%run_scoped3A : memref<!tpu.dma_semaphore, #tpu.memory_space<semaphore_mem>>)
      %dma_wait3A = arith.constant 0 : i32
      %dma_wait3A_84 = arith.constant 0 : i32
      %dma_wait3A_85 = tpu.memref_slice %arg4[%add3A, %dma_wait3A, %dma_wait3A_84] : memref<32x80x125xi32, #tpu.memory_space<hbm>> -> memref<1x80x125xi32, #tpu.memory_space<hbm>>
      %dma_wait3A_86 = tpu.memref_squeeze %dma_wait3A_85 : memref<1x80x125xi32, #tpu.memory_space<hbm>> -> memref<80x125xi32, #tpu.memory_space<hbm>>
      %dma_wait3A_87 = arith.constant 0 : i32
      %dma_wait3A_88 = arith.constant 0 : i32
      %dma_wait3A_89 = tpu.memref_slice %dma_wait3A_86[%dma_wait3A_87, %dma_wait3A_88] : memref<80x125xi32, #tpu.memory_space<hbm>> -> memref<40x125xi32, #tpu.memory_space<hbm>>
      %dma_wait3A_90 = arith.constant 0 : i32
      %dma_wait3A_91 = arith.constant 0 : i32
      %dma_wait3A_92 = tpu.memref_slice %arg4[%add3A, %dma_wait3A_90, %dma_wait3A_91] : memref<32x80x125xi32, #tpu.memory_space<hbm>> -> memref<1x80x125xi32, #tpu.memory_space<hbm>>
      %dma_wait3A_93 = tpu.memref_squeeze %dma_wait3A_92 : memref<1x80x125xi32, #tpu.memory_space<hbm>> -> memref<80x125xi32, #tpu.memory_space<hbm>>
      %dma_wait3A_94 = arith.constant 0 : i32
      %dma_wait3A_95 = arith.constant 0 : i32
      %dma_wait3A_96 = tpu.memref_slice %dma_wait3A_93[%dma_wait3A_94, %dma_wait3A_95] : memref<80x125xi32, #tpu.memory_space<hbm>> -> memref<40x125xi32, #tpu.memory_space<hbm>>
      tpu.wait_dma2 semaphore(%run_scoped3A : memref<!tpu.dma_semaphore, #tpu.memory_space<semaphore_mem>>) src(%dma_wait3A_96 : memref<40x125xi32, #tpu.memory_space<hbm>>) dst(%arg8 : memref<40x125xi32, #tpu.memory_space<vmem>>)
      tpu.yield
    }) : () -> ()
    %dma_start3A = arith.constant 0 : i32
    %dma_start3A_5 = arith.constant 0 : i32
    %dma_start3A_6 = arith.constant 0 : i32
    %dma_start3A_7 = arith.constant 0 : i32
    %dma_start3A_8 = tpu.memref_slice %arg9[%dma_start3A_5, %dma_start3A_6, %dma_start3A_7] : memref<2x125x128xf32, #tpu.memory_space<vmem>> -> memref<1x125x128xf32, #tpu.memory_space<vmem>>
    %dma_start3A_9 = tpu.memref_squeeze %dma_start3A_8 : memref<1x125x128xf32, #tpu.memory_space<vmem>> -> memref<125x128xf32, #tpu.memory_space<vmem>>
    %dma_start3A_10 = arith.constant 0 : i32
    %dma_start3A_11 = tpu.memref_slice %arg7[%dma_start3A, %dma_start3A_10] : memref<40x125xi32, #tpu.memory_space<vmem>> -> memref<1x125xi32, #tpu.memory_space<vmem>>
    %dma_start3A_12 = tpu.memref_squeeze %dma_start3A_11 : memref<1x125xi32, #tpu.memory_space<vmem>> -> memref<125xi32, #tpu.memory_space<vmem>>
    %dma_start3A_13 = arith.constant 0 : i32
    %dma_start3A_14 = arith.constant 0 : i32
    %dma_start3A_15 = tpu.memref_slice %arg2[%dma_start3A_13, %dma_start3A_14] : memref<80000x128xf32, #tpu.memory_space<hbm>> -> memref<80000x128xf32, #tpu.memory_space<hbm>>
    tpu.enqueue_indirect_dma source(%dma_start3A_15 : memref<80000x128xf32, #tpu.memory_space<hbm>>) target(%dma_start3A_9 : memref<125x128xf32, #tpu.memory_space<vmem>>) offsets(%dma_start3A_12 : memref<125xi32, #tpu.memory_space<vmem>>) semaphore(%arg11 : memref<!tpu.dma_semaphore, #tpu.memory_space<semaphore_mem>>)
    %dma_start3A_16 = arith.constant 1 : i32
    %dma_start3A_17 = arith.constant 1 : i32
    %dma_start3A_18 = arith.constant 0 : i32
    %dma_start3A_19 = arith.constant 0 : i32
    %dma_start3A_20 = tpu.memref_slice %arg9[%dma_start3A_17, %dma_start3A_18, %dma_start3A_19] : memref<2x125x128xf32, #tpu.memory_space<vmem>> -> memref<1x125x128xf32, #tpu.memory_space<vmem>>
    %dma_start3A_21 = tpu.memref_squeeze %dma_start3A_20 : memref<1x125x128xf32, #tpu.memory_space<vmem>> -> memref<125x128xf32, #tpu.memory_space<vmem>>
    %dma_start3A_22 = arith.constant 0 : i32
    %dma_start3A_23 = tpu.memref_slice %arg7[%dma_start3A_16, %dma_start3A_22] : memref<40x125xi32, #tpu.memory_space<vmem>> -> memref<1x125xi32, #tpu.memory_space<vmem>>
    %dma_start3A_24 = tpu.memref_squeeze %dma_start3A_23 : memref<1x125xi32, #tpu.memory_space<vmem>> -> memref<125xi32, #tpu.memory_space<vmem>>
    %dma_start3A_25 = arith.constant 0 : i32
    %dma_start3A_26 = arith.constant 0 : i32
    %dma_start3A_27 = tpu.memref_slice %arg2[%dma_start3A_25, %dma_start3A_26] : memref<80000x128xf32, #tpu.memory_space<hbm>> -> memref<80000x128xf32, #tpu.memory_space<hbm>>
    tpu.enqueue_indirect_dma source(%dma_start3A_27 : memref<80000x128xf32, #tpu.memory_space<hbm>>) target(%dma_start3A_21 : memref<125x128xf32, #tpu.memory_space<vmem>>) offsets(%dma_start3A_24 : memref<125xi32, #tpu.memory_space<vmem>>) semaphore(%arg12 : memref<!tpu.dma_semaphore, #tpu.memory_space<semaphore_mem>>)
    %scan3A = arith.constant 0 : i32
    %scan3A_28 = arith.constant 1 : i32
    %scan3A_29 = arith.constant 0 : i32
    %scan3A_30 = arith.constant 20 : i32
    %scan3A_31 = arith.addi %scan3A_29, %scan3A_30 : i32
    %scan3A_32 = arith.constant 1 : i32
    scf.for %scan3A_70 = %scan3A_29 to %scan3A_31 step %scan3A_32  : i32 {
      %mul3A_71 = arith.constant 2 : i32
      %mul3A_72 = arith.muli %scan3A_70, %mul3A_71 : i32
      %add3A_73 = arith.constant 0 : i32
      %add3A_74 = arith.addi %add3A_73, %mul3A_72 : i32
      %dma_wait3A = arith.constant 0 : i32
      %dma_wait3A_75 = arith.constant 0 : i32
      %dma_wait3A_76 = tpu.memref_slice %arg9[%scan3A, %dma_wait3A, %dma_wait3A_75] : memref<2x125x128xf32, #tpu.memory_space<vmem>> -> memref<1x125x128xf32, #tpu.memory_space<vmem>>
      %dma_wait3A_77 = tpu.memref_squeeze %dma_wait3A_76 : memref<1x125x128xf32, #tpu.memory_space<vmem>> -> memref<125x128xf32, #tpu.memory_space<vmem>>
      %dma_wait3A_78 = arith.constant 0 : i32
      %dma_wait3A_79 = tpu.memref_slice %arg7[%add3A_74, %dma_wait3A_78] : memref<40x125xi32, #tpu.memory_space<vmem>> -> memref<1x125xi32, #tpu.memory_space<vmem>>
      %dma_wait3A_80 = tpu.memref_squeeze %dma_wait3A_79 : memref<1x125xi32, #tpu.memory_space<vmem>> -> memref<125xi32, #tpu.memory_space<vmem>>
      %dma_wait3A_81 = arith.constant 0 : i32
      %dma_wait3A_82 = arith.constant 0 : i32
      %dma_wait3A_83 = tpu.memref_slice %arg2[%dma_wait3A_81, %dma_wait3A_82] : memref<80000x128xf32, #tpu.memory_space<hbm>> -> memref<80000x128xf32, #tpu.memory_space<hbm>>
      tpu.wait_indirect_dma semaphore(%arg11 : memref<!tpu.dma_semaphore, #tpu.memory_space<semaphore_mem>>) src(%dma_wait3A_83 : memref<80000x128xf32, #tpu.memory_space<hbm>>) dst(%dma_wait3A_77 : memref<125x128xf32, #tpu.memory_space<vmem>>)
      "tpu.region"() ({
        %run_scoped3A = tpu.sem_alloc : memref<!tpu.dma_semaphore, #tpu.memory_space<semaphore_mem>>
        %dma_start3A_109 = arith.constant 0 : i32
        %dma_start3A_110 = arith.constant 0 : i32
        %dma_start3A_111 = tpu.memref_slice %arg9[%scan3A, %dma_start3A_109, %dma_start3A_110] : memref<2x125x128xf32, #tpu.memory_space<vmem>> -> memref<1x125x128xf32, #tpu.memory_space<vmem>>
        %dma_start3A_112 = tpu.memref_squeeze %dma_start3A_111 : memref<1x125x128xf32, #tpu.memory_space<vmem>> -> memref<125x128xf32, #tpu.memory_space<vmem>>
        %dma_start3A_113 = arith.constant 0 : i32
        %dma_start3A_114 = tpu.memref_slice %arg8[%add3A_74, %dma_start3A_113] : memref<40x125xi32, #tpu.memory_space<vmem>> -> memref<1x125xi32, #tpu.memory_space<vmem>>
        %dma_start3A_115 = tpu.memref_squeeze %dma_start3A_114 : memref<1x125xi32, #tpu.memory_space<vmem>> -> memref<125xi32, #tpu.memory_space<vmem>>
        %dma_start3A_116 = arith.constant 0 : i32
        %dma_start3A_117 = arith.constant 0 : i32
        %dma_start3A_118 = tpu.memref_slice %arg10[%dma_start3A_116, %dma_start3A_117] : memref<10240x128xf32, #tpu.memory_space<vmem_shared>> -> memref<10240x128xf32, #tpu.memory_space<vmem_shared>>
        tpu.enqueue_indirect_dma source(%dma_start3A_112 : memref<125x128xf32, #tpu.memory_space<vmem>>) target(%dma_start3A_118 : memref<10240x128xf32, #tpu.memory_space<vmem_shared>>) offsets(%dma_start3A_115 : memref<125xi32, #tpu.memory_space<vmem>>) semaphore(%run_scoped3A : memref<!tpu.dma_semaphore, #tpu.memory_space<semaphore_mem>>) {add = true}
        %dma_wait3A_119 = arith.constant 0 : i32
        %dma_wait3A_120 = arith.constant 0 : i32
        %dma_wait3A_121 = tpu.memref_slice %arg9[%scan3A, %dma_wait3A_119, %dma_wait3A_120] : memref<2x125x128xf32, #tpu.memory_space<vmem>> -> memref<1x125x128xf32, #tpu.memory_space<vmem>>
        %dma_wait3A_122 = tpu.memref_squeeze %dma_wait3A_121 : memref<1x125x128xf32, #tpu.memory_space<vmem>> -> memref<125x128xf32, #tpu.memory_space<vmem>>
        %dma_wait3A_123 = arith.constant 0 : i32
        %dma_wait3A_124 = tpu.memref_slice %arg8[%add3A_74, %dma_wait3A_123] : memref<40x125xi32, #tpu.memory_space<vmem>> -> memref<1x125xi32, #tpu.memory_space<vmem>>
        %dma_wait3A_125 = tpu.memref_squeeze %dma_wait3A_124 : memref<1x125xi32, #tpu.memory_space<vmem>> -> memref<125xi32, #tpu.memory_space<vmem>>
        %dma_wait3A_126 = arith.constant 0 : i32
        %dma_wait3A_127 = arith.constant 0 : i32
        %dma_wait3A_128 = tpu.memref_slice %arg10[%dma_wait3A_126, %dma_wait3A_127] : memref<10240x128xf32, #tpu.memory_space<vmem_shared>> -> memref<10240x128xf32, #tpu.memory_space<vmem_shared>>
        tpu.wait_indirect_dma semaphore(%run_scoped3A : memref<!tpu.dma_semaphore, #tpu.memory_space<semaphore_mem>>) src(%dma_wait3A_122 : memref<125x128xf32, #tpu.memory_space<vmem>>) dst(%dma_wait3A_128 : memref<10240x128xf32, #tpu.memory_space<vmem_shared>>)
        tpu.yield
      }) : () -> ()
      %add3A_84 = arith.constant 2 : i32
      %add3A_85 = arith.addi %add3A_74, %add3A_84 : i32
      %lt3A = arith.constant 40 : i32
      %lt3A_86 = arith.cmpi slt, %add3A_85, %lt3A : i32
      %convert_element_type3A = arith.extui %lt3A_86 : i1 to i32
      %cond3A = arith.constant 0 : i32
      %cond3A_87 = arith.cmpi ne, %convert_element_type3A, %cond3A : i32
      scf.if %cond3A_87 {
        %add3A_109 = arith.constant 2 : i32
        %add3A_110 = arith.addi %add3A_74, %add3A_109 : i32
        %dma_start3A_111 = arith.constant 0 : i32
        %dma_start3A_112 = arith.constant 0 : i32
        %dma_start3A_113 = tpu.memref_slice %arg9[%scan3A, %dma_start3A_111, %dma_start3A_112] : memref<2x125x128xf32, #tpu.memory_space<vmem>> -> memref<1x125x128xf32, #tpu.memory_space<vmem>>
        %dma_start3A_114 = tpu.memref_squeeze %dma_start3A_113 : memref<1x125x128xf32, #tpu.memory_space<vmem>> -> memref<125x128xf32, #tpu.memory_space<vmem>>
        %dma_start3A_115 = arith.constant 0 : i32
        %dma_start3A_116 = tpu.memref_slice %arg7[%add3A_110, %dma_start3A_115] : memref<40x125xi32, #tpu.memory_space<vmem>> -> memref<1x125xi32, #tpu.memory_space<vmem>>
        %dma_start3A_117 = tpu.memref_squeeze %dma_start3A_116 : memref<1x125xi32, #tpu.memory_space<vmem>> -> memref<125xi32, #tpu.memory_space<vmem>>
        %dma_start3A_118 = arith.constant 0 : i32
        %dma_start3A_119 = arith.constant 0 : i32
        %dma_start3A_120 = tpu.memref_slice %arg2[%dma_start3A_118, %dma_start3A_119] : memref<80000x128xf32, #tpu.memory_space<hbm>> -> memref<80000x128xf32, #tpu.memory_space<hbm>>
        tpu.enqueue_indirect_dma source(%dma_start3A_120 : memref<80000x128xf32, #tpu.memory_space<hbm>>) target(%dma_start3A_114 : memref<125x128xf32, #tpu.memory_space<vmem>>) offsets(%dma_start3A_117 : memref<125xi32, #tpu.memory_space<vmem>>) semaphore(%arg11 : memref<!tpu.dma_semaphore, #tpu.memory_space<semaphore_mem>>)
      } else {
      }
      %add3A_88 = arith.constant 1 : i32
      %add3A_89 = arith.addi %add3A_74, %add3A_88 : i32
      %dma_wait3A_90 = arith.constant 0 : i32
      %dma_wait3A_91 = arith.constant 0 : i32
      %dma_wait3A_92 = tpu.memref_slice %arg9[%scan3A_28, %dma_wait3A_90, %dma_wait3A_91] : memref<2x125x128xf32, #tpu.memory_space<vmem>> -> memref<1x125x128xf32, #tpu.memory_space<vmem>>
      %dma_wait3A_93 = tpu.memref_squeeze %dma_wait3A_92 : memref<1x125x128xf32, #tpu.memory_space<vmem>> -> memref<125x128xf32, #tpu.memory_space<vmem>>
      %dma_wait3A_94 = arith.constant 0 : i32
      %dma_wait3A_95 = tpu.memref_slice %arg7[%add3A_89, %dma_wait3A_94] : memref<40x125xi32, #tpu.memory_space<vmem>> -> memref<1x125xi32, #tpu.memory_space<vmem>>
      %dma_wait3A_96 = tpu.memref_squeeze %dma_wait3A_95 : memref<1x125xi32, #tpu.memory_space<vmem>> -> memref<125xi32, #tpu.memory_space<vmem>>
      %dma_wait3A_97 = arith.constant 0 : i32
      %dma_wait3A_98 = arith.constant 0 : i32
      %dma_wait3A_99 = tpu.memref_slice %arg2[%dma_wait3A_97, %dma_wait3A_98] : memref<80000x128xf32, #tpu.memory_space<hbm>> -> memref<80000x128xf32, #tpu.memory_space<hbm>>
      tpu.wait_indirect_dma semaphore(%arg12 : memref<!tpu.dma_semaphore, #tpu.memory_space<semaphore_mem>>) src(%dma_wait3A_99 : memref<80000x128xf32, #tpu.memory_space<hbm>>) dst(%dma_wait3A_93 : memref<125x128xf32, #tpu.memory_space<vmem>>)
      %add3A_100 = arith.constant 1 : i32
      %add3A_101 = arith.addi %add3A_74, %add3A_100 : i32
      "tpu.region"() ({
        %run_scoped3A = tpu.sem_alloc : memref<!tpu.dma_semaphore, #tpu.memory_space<semaphore_mem>>
        %dma_start3A_109 = arith.constant 0 : i32
        %dma_start3A_110 = arith.constant 0 : i32
        %dma_start3A_111 = tpu.memref_slice %arg9[%scan3A_28, %dma_start3A_109, %dma_start3A_110] : memref<2x125x128xf32, #tpu.memory_space<vmem>> -> memref<1x125x128xf32, #tpu.memory_space<vmem>>
        %dma_start3A_112 = tpu.memref_squeeze %dma_start3A_111 : memref<1x125x128xf32, #tpu.memory_space<vmem>> -> memref<125x128xf32, #tpu.memory_space<vmem>>
        %dma_start3A_113 = arith.constant 0 : i32
        %dma_start3A_114 = tpu.memref_slice %arg8[%add3A_101, %dma_start3A_113] : memref<40x125xi32, #tpu.memory_space<vmem>> -> memref<1x125xi32, #tpu.memory_space<vmem>>
        %dma_start3A_115 = tpu.memref_squeeze %dma_start3A_114 : memref<1x125xi32, #tpu.memory_space<vmem>> -> memref<125xi32, #tpu.memory_space<vmem>>
        %dma_start3A_116 = arith.constant 0 : i32
        %dma_start3A_117 = arith.constant 0 : i32
        %dma_start3A_118 = tpu.memref_slice %arg10[%dma_start3A_116, %dma_start3A_117] : memref<10240x128xf32, #tpu.memory_space<vmem_shared>> -> memref<10240x128xf32, #tpu.memory_space<vmem_shared>>
        tpu.enqueue_indirect_dma source(%dma_start3A_112 : memref<125x128xf32, #tpu.memory_space<vmem>>) target(%dma_start3A_118 : memref<10240x128xf32, #tpu.memory_space<vmem_shared>>) offsets(%dma_start3A_115 : memref<125xi32, #tpu.memory_space<vmem>>) semaphore(%run_scoped3A : memref<!tpu.dma_semaphore, #tpu.memory_space<semaphore_mem>>) {add = true}
        %dma_wait3A_119 = arith.constant 0 : i32
        %dma_wait3A_120 = arith.constant 0 : i32
        %dma_wait3A_121 = tpu.memref_slice %arg9[%scan3A_28, %dma_wait3A_119, %dma_wait3A_120] : memref<2x125x128xf32, #tpu.memory_space<vmem>> -> memref<1x125x128xf32, #tpu.memory_space<vmem>>
        %dma_wait3A_122 = tpu.memref_squeeze %dma_wait3A_121 : memref<1x125x128xf32, #tpu.memory_space<vmem>> -> memref<125x128xf32, #tpu.memory_space<vmem>>
        %dma_wait3A_123 = arith.constant 0 : i32
        %dma_wait3A_124 = tpu.memref_slice %arg8[%add3A_101, %dma_wait3A_123] : memref<40x125xi32, #tpu.memory_space<vmem>> -> memref<1x125xi32, #tpu.memory_space<vmem>>
        %dma_wait3A_125 = tpu.memref_squeeze %dma_wait3A_124 : memref<1x125xi32, #tpu.memory_space<vmem>> -> memref<125xi32, #tpu.memory_space<vmem>>
        %dma_wait3A_126 = arith.constant 0 : i32
        %dma_wait3A_127 = arith.constant 0 : i32
        %dma_wait3A_128 = tpu.memref_slice %arg10[%dma_wait3A_126, %dma_wait3A_127] : memref<10240x128xf32, #tpu.memory_space<vmem_shared>> -> memref<10240x128xf32, #tpu.memory_space<vmem_shared>>
        tpu.wait_indirect_dma semaphore(%run_scoped3A : memref<!tpu.dma_semaphore, #tpu.memory_space<semaphore_mem>>) src(%dma_wait3A_122 : memref<125x128xf32, #tpu.memory_space<vmem>>) dst(%dma_wait3A_128 : memref<10240x128xf32, #tpu.memory_space<vmem_shared>>)
        tpu.yield
      }) : () -> ()
      %add3A_102 = arith.constant 3 : i32
      %add3A_103 = arith.addi %add3A_74, %add3A_102 : i32
      %lt3A_104 = arith.constant 40 : i32
      %lt3A_105 = arith.cmpi slt, %add3A_103, %lt3A_104 : i32
      %convert_element_type3A_106 = arith.extui %lt3A_105 : i1 to i32
      %cond3A_107 = arith.constant 0 : i32
      %cond3A_108 = arith.cmpi ne, %convert_element_type3A_106, %cond3A_107 : i32
      scf.if %cond3A_108 {
        %add3A_109 = arith.constant 3 : i32
        %add3A_110 = arith.addi %add3A_74, %add3A_109 : i32
        %dma_start3A_111 = arith.constant 0 : i32
        %dma_start3A_112 = arith.constant 0 : i32
        %dma_start3A_113 = tpu.memref_slice %arg9[%scan3A_28, %dma_start3A_111, %dma_start3A_112] : memref<2x125x128xf32, #tpu.memory_space<vmem>> -> memref<1x125x128xf32, #tpu.memory_space<vmem>>
        %dma_start3A_114 = tpu.memref_squeeze %dma_start3A_113 : memref<1x125x128xf32, #tpu.memory_space<vmem>> -> memref<125x128xf32, #tpu.memory_space<vmem>>
        %dma_start3A_115 = arith.constant 0 : i32
        %dma_start3A_116 = tpu.memref_slice %arg7[%add3A_110, %dma_start3A_115] : memref<40x125xi32, #tpu.memory_space<vmem>> -> memref<1x125xi32, #tpu.memory_space<vmem>>
        %dma_start3A_117 = tpu.memref_squeeze %dma_start3A_116 : memref<1x125xi32, #tpu.memory_space<vmem>> -> memref<125xi32, #tpu.memory_space<vmem>>
        %dma_start3A_118 = arith.constant 0 : i32
        %dma_start3A_119 = arith.constant 0 : i32
        %dma_start3A_120 = tpu.memref_slice %arg2[%dma_start3A_118, %dma_start3A_119] : memref<80000x128xf32, #tpu.memory_space<hbm>> -> memref<80000x128xf32, #tpu.memory_space<hbm>>
        tpu.enqueue_indirect_dma source(%dma_start3A_120 : memref<80000x128xf32, #tpu.memory_space<hbm>>) target(%dma_start3A_114 : memref<125x128xf32, #tpu.memory_space<vmem>>) offsets(%dma_start3A_117 : memref<125xi32, #tpu.memory_space<vmem>>) semaphore(%arg12 : memref<!tpu.dma_semaphore, #tpu.memory_space<semaphore_mem>>)
      } else {
      }
    }
    %scan3A_33 = arith.constant 20 : i32
    "tpu.region"() ({
      %run_scoped3A = tpu.sem_alloc : memref<!tpu.dma_semaphore, #tpu.memory_space<semaphore_mem>>
      %dma_start3A_70 = arith.constant 0 : i32
      %dma_start3A_71 = arith.constant 0 : i32
      %dma_start3A_72 = tpu.memref_slice %arg3[%add3A, %dma_start3A_70, %dma_start3A_71] : memref<32x80x125xi32, #tpu.memory_space<hbm>> -> memref<1x80x125xi32, #tpu.memory_space<hbm>>
      %dma_start3A_73 = tpu.memref_squeeze %dma_start3A_72 : memref<1x80x125xi32, #tpu.memory_space<hbm>> -> memref<80x125xi32, #tpu.memory_space<hbm>>
      %dma_start3A_74 = arith.constant 40 : i32
      %dma_start3A_75 = arith.constant 0 : i32
      %dma_start3A_76 = tpu.memref_slice %dma_start3A_73[%dma_start3A_74, %dma_start3A_75] : memref<80x125xi32, #tpu.memory_space<hbm>> -> memref<40x125xi32, #tpu.memory_space<hbm>>
      %dma_start3A_77 = arith.constant 0 : i32
      %dma_start3A_78 = arith.constant 0 : i32
      %dma_start3A_79 = tpu.memref_slice %arg3[%add3A, %dma_start3A_77, %dma_start3A_78] : memref<32x80x125xi32, #tpu.memory_space<hbm>> -> memref<1x80x125xi32, #tpu.memory_space<hbm>>
      %dma_start3A_80 = tpu.memref_squeeze %dma_start3A_79 : memref<1x80x125xi32, #tpu.memory_space<hbm>> -> memref<80x125xi32, #tpu.memory_space<hbm>>
      %dma_start3A_81 = arith.constant 40 : i32
      %dma_start3A_82 = arith.constant 0 : i32
      %dma_start3A_83 = tpu.memref_slice %dma_start3A_80[%dma_start3A_81, %dma_start3A_82] : memref<80x125xi32, #tpu.memory_space<hbm>> -> memref<40x125xi32, #tpu.memory_space<hbm>>
      tpu.enqueue_dma source(%dma_start3A_83 : memref<40x125xi32, #tpu.memory_space<hbm>>) target(%arg7 : memref<40x125xi32, #tpu.memory_space<vmem>>) target_semaphore(%run_scoped3A : memref<!tpu.dma_semaphore, #tpu.memory_space<semaphore_mem>>)
      %dma_wait3A = arith.constant 0 : i32
      %dma_wait3A_84 = arith.constant 0 : i32
      %dma_wait3A_85 = tpu.memref_slice %arg3[%add3A, %dma_wait3A, %dma_wait3A_84] : memref<32x80x125xi32, #tpu.memory_space<hbm>> -> memref<1x80x125xi32, #tpu.memory_space<hbm>>
      %dma_wait3A_86 = tpu.memref_squeeze %dma_wait3A_85 : memref<1x80x125xi32, #tpu.memory_space<hbm>> -> memref<80x125xi32, #tpu.memory_space<hbm>>
      %dma_wait3A_87 = arith.constant 40 : i32
      %dma_wait3A_88 = arith.constant 0 : i32
      %dma_wait3A_89 = tpu.memref_slice %dma_wait3A_86[%dma_wait3A_87, %dma_wait3A_88] : memref<80x125xi32, #tpu.memory_space<hbm>> -> memref<40x125xi32, #tpu.memory_space<hbm>>
      %dma_wait3A_90 = arith.constant 0 : i32
      %dma_wait3A_91 = arith.constant 0 : i32
      %dma_wait3A_92 = tpu.memref_slice %arg3[%add3A, %dma_wait3A_90, %dma_wait3A_91] : memref<32x80x125xi32, #tpu.memory_space<hbm>> -> memref<1x80x125xi32, #tpu.memory_space<hbm>>
      %dma_wait3A_93 = tpu.memref_squeeze %dma_wait3A_92 : memref<1x80x125xi32, #tpu.memory_space<hbm>> -> memref<80x125xi32, #tpu.memory_space<hbm>>
      %dma_wait3A_94 = arith.constant 40 : i32
      %dma_wait3A_95 = arith.constant 0 : i32
      %dma_wait3A_96 = tpu.memref_slice %dma_wait3A_93[%dma_wait3A_94, %dma_wait3A_95] : memref<80x125xi32, #tpu.memory_space<hbm>> -> memref<40x125xi32, #tpu.memory_space<hbm>>
      tpu.wait_dma2 semaphore(%run_scoped3A : memref<!tpu.dma_semaphore, #tpu.memory_space<semaphore_mem>>) src(%dma_wait3A_96 : memref<40x125xi32, #tpu.memory_space<hbm>>) dst(%arg7 : memref<40x125xi32, #tpu.memory_space<vmem>>)
      tpu.yield
    }) : () -> ()
    "tpu.region"() ({
      %run_scoped3A = tpu.sem_alloc : memref<!tpu.dma_semaphore, #tpu.memory_space<semaphore_mem>>
      %dma_start3A_70 = arith.constant 0 : i32
      %dma_start3A_71 = arith.constant 0 : i32
      %dma_start3A_72 = tpu.memref_slice %arg4[%add3A, %dma_start3A_70, %dma_start3A_71] : memref<32x80x125xi32, #tpu.memory_space<hbm>> -> memref<1x80x125xi32, #tpu.memory_space<hbm>>
      %dma_start3A_73 = tpu.memref_squeeze %dma_start3A_72 : memref<1x80x125xi32, #tpu.memory_space<hbm>> -> memref<80x125xi32, #tpu.memory_space<hbm>>
      %dma_start3A_74 = arith.constant 40 : i32
      %dma_start3A_75 = arith.constant 0 : i32
      %dma_start3A_76 = tpu.memref_slice %dma_start3A_73[%dma_start3A_74, %dma_start3A_75] : memref<80x125xi32, #tpu.memory_space<hbm>> -> memref<40x125xi32, #tpu.memory_space<hbm>>
      %dma_start3A_77 = arith.constant 0 : i32
      %dma_start3A_78 = arith.constant 0 : i32
      %dma_start3A_79 = tpu.memref_slice %arg4[%add3A, %dma_start3A_77, %dma_start3A_78] : memref<32x80x125xi32, #tpu.memory_space<hbm>> -> memref<1x80x125xi32, #tpu.memory_space<hbm>>
      %dma_start3A_80 = tpu.memref_squeeze %dma_start3A_79 : memref<1x80x125xi32, #tpu.memory_space<hbm>> -> memref<80x125xi32, #tpu.memory_space<hbm>>
      %dma_start3A_81 = arith.constant 40 : i32
      %dma_start3A_82 = arith.constant 0 : i32
      %dma_start3A_83 = tpu.memref_slice %dma_start3A_80[%dma_start3A_81, %dma_start3A_82] : memref<80x125xi32, #tpu.memory_space<hbm>> -> memref<40x125xi32, #tpu.memory_space<hbm>>
      tpu.enqueue_dma source(%dma_start3A_83 : memref<40x125xi32, #tpu.memory_space<hbm>>) target(%arg8 : memref<40x125xi32, #tpu.memory_space<vmem>>) target_semaphore(%run_scoped3A : memref<!tpu.dma_semaphore, #tpu.memory_space<semaphore_mem>>)
      %dma_wait3A = arith.constant 0 : i32
      %dma_wait3A_84 = arith.constant 0 : i32
      %dma_wait3A_85 = tpu.memref_slice %arg4[%add3A, %dma_wait3A, %dma_wait3A_84] : memref<32x80x125xi32, #tpu.memory_space<hbm>> -> memref<1x80x125xi32, #tpu.memory_space<hbm>>
      %dma_wait3A_86 = tpu.memref_squeeze %dma_wait3A_85 : memref<1x80x125xi32, #tpu.memory_space<hbm>> -> memref<80x125xi32, #tpu.memory_space<hbm>>
      %dma_wait3A_87 = arith.constant 40 : i32
      %dma_wait3A_88 = arith.constant 0 : i32
      %dma_wait3A_89 = tpu.memref_slice %dma_wait3A_86[%dma_wait3A_87, %dma_wait3A_88] : memref<80x125xi32, #tpu.memory_space<hbm>> -> memref<40x125xi32, #tpu.memory_space<hbm>>
      %dma_wait3A_90 = arith.constant 0 : i32
      %dma_wait3A_91 = arith.constant 0 : i32
      %dma_wait3A_92 = tpu.memref_slice %arg4[%add3A, %dma_wait3A_90, %dma_wait3A_91] : memref<32x80x125xi32, #tpu.memory_space<hbm>> -> memref<1x80x125xi32, #tpu.memory_space<hbm>>
      %dma_wait3A_93 = tpu.memref_squeeze %dma_wait3A_92 : memref<1x80x125xi32, #tpu.memory_space<hbm>> -> memref<80x125xi32, #tpu.memory_space<hbm>>
      %dma_wait3A_94 = arith.constant 40 : i32
      %dma_wait3A_95 = arith.constant 0 : i32
      %dma_wait3A_96 = tpu.memref_slice %dma_wait3A_93[%dma_wait3A_94, %dma_wait3A_95] : memref<80x125xi32, #tpu.memory_space<hbm>> -> memref<40x125xi32, #tpu.memory_space<hbm>>
      tpu.wait_dma2 semaphore(%run_scoped3A : memref<!tpu.dma_semaphore, #tpu.memory_space<semaphore_mem>>) src(%dma_wait3A_96 : memref<40x125xi32, #tpu.memory_space<hbm>>) dst(%arg8 : memref<40x125xi32, #tpu.memory_space<vmem>>)
      tpu.yield
    }) : () -> ()
    %dma_start3A_34 = arith.constant 0 : i32
    %dma_start3A_35 = arith.constant 0 : i32
    %dma_start3A_36 = arith.constant 0 : i32
    %dma_start3A_37 = arith.constant 0 : i32
    %dma_start3A_38 = tpu.memref_slice %arg9[%dma_start3A_35, %dma_start3A_36, %dma_start3A_37] : memref<2x125x128xf32, #tpu.memory_space<vmem>> -> memref<1x125x128xf32, #tpu.memory_space<vmem>>
    %dma_start3A_39 = tpu.memref_squeeze %dma_start3A_38 : memref<1x125x128xf32, #tpu.memory_space<vmem>> -> memref<125x128xf32, #tpu.memory_space<vmem>>
    %dma_start3A_40 = arith.constant 0 : i32
    %dma_start3A_41 = tpu.memref_slice %arg7[%dma_start3A_34, %dma_start3A_40] : memref<40x125xi32, #tpu.memory_space<vmem>> -> memref<1x125xi32, #tpu.memory_space<vmem>>
    %dma_start3A_42 = tpu.memref_squeeze %dma_start3A_41 : memref<1x125xi32, #tpu.memory_space<vmem>> -> memref<125xi32, #tpu.memory_space<vmem>>
    %dma_start3A_43 = arith.constant 0 : i32
    %dma_start3A_44 = arith.constant 0 : i32
    %dma_start3A_45 = tpu.memref_slice %arg2[%dma_start3A_43, %dma_start3A_44] : memref<80000x128xf32, #tpu.memory_space<hbm>> -> memref<80000x128xf32, #tpu.memory_space<hbm>>
    tpu.enqueue_indirect_dma source(%dma_start3A_45 : memref<80000x128xf32, #tpu.memory_space<hbm>>) target(%dma_start3A_39 : memref<125x128xf32, #tpu.memory_space<vmem>>) offsets(%dma_start3A_42 : memref<125xi32, #tpu.memory_space<vmem>>) semaphore(%arg11 : memref<!tpu.dma_semaphore, #tpu.memory_space<semaphore_mem>>)
    %dma_start3A_46 = arith.constant 1 : i32
    %dma_start3A_47 = arith.constant 1 : i32
    %dma_start3A_48 = arith.constant 0 : i32
    %dma_start3A_49 = arith.constant 0 : i32
    %dma_start3A_50 = tpu.memref_slice %arg9[%dma_start3A_47, %dma_start3A_48, %dma_start3A_49] : memref<2x125x128xf32, #tpu.memory_space<vmem>> -> memref<1x125x128xf32, #tpu.memory_space<vmem>>
    %dma_start3A_51 = tpu.memref_squeeze %dma_start3A_50 : memref<1x125x128xf32, #tpu.memory_space<vmem>> -> memref<125x128xf32, #tpu.memory_space<vmem>>
    %dma_start3A_52 = arith.constant 0 : i32
    %dma_start3A_53 = tpu.memref_slice %arg7[%dma_start3A_46, %dma_start3A_52] : memref<40x125xi32, #tpu.memory_space<vmem>> -> memref<1x125xi32, #tpu.memory_space<vmem>>
    %dma_start3A_54 = tpu.memref_squeeze %dma_start3A_53 : memref<1x125xi32, #tpu.memory_space<vmem>> -> memref<125xi32, #tpu.memory_space<vmem>>
    %dma_start3A_55 = arith.constant 0 : i32
    %dma_start3A_56 = arith.constant 0 : i32
    %dma_start3A_57 = tpu.memref_slice %arg2[%dma_start3A_55, %dma_start3A_56] : memref<80000x128xf32, #tpu.memory_space<hbm>> -> memref<80000x128xf32, #tpu.memory_space<hbm>>
    tpu.enqueue_indirect_dma source(%dma_start3A_57 : memref<80000x128xf32, #tpu.memory_space<hbm>>) target(%dma_start3A_51 : memref<125x128xf32, #tpu.memory_space<vmem>>) offsets(%dma_start3A_54 : memref<125xi32, #tpu.memory_space<vmem>>) semaphore(%arg12 : memref<!tpu.dma_semaphore, #tpu.memory_space<semaphore_mem>>)
    %scan3A_58 = arith.constant 0 : i32
    %scan3A_59 = arith.constant 1 : i32
    %scan3A_60 = arith.constant 0 : i32
    %scan3A_61 = arith.constant 20 : i32
    %scan3A_62 = arith.addi %scan3A_60, %scan3A_61 : i32
    %scan3A_63 = arith.constant 1 : i32
    scf.for %scan3A_70 = %scan3A_60 to %scan3A_62 step %scan3A_63  : i32 {
      %mul3A_71 = arith.constant 2 : i32
      %mul3A_72 = arith.muli %scan3A_70, %mul3A_71 : i32
      %add3A_73 = arith.constant 0 : i32
      %add3A_74 = arith.addi %add3A_73, %mul3A_72 : i32
      %dma_wait3A = arith.constant 0 : i32
      %dma_wait3A_75 = arith.constant 0 : i32
      %dma_wait3A_76 = tpu.memref_slice %arg9[%scan3A_58, %dma_wait3A, %dma_wait3A_75] : memref<2x125x128xf32, #tpu.memory_space<vmem>> -> memref<1x125x128xf32, #tpu.memory_space<vmem>>
      %dma_wait3A_77 = tpu.memref_squeeze %dma_wait3A_76 : memref<1x125x128xf32, #tpu.memory_space<vmem>> -> memref<125x128xf32, #tpu.memory_space<vmem>>
      %dma_wait3A_78 = arith.constant 0 : i32
      %dma_wait3A_79 = tpu.memref_slice %arg7[%add3A_74, %dma_wait3A_78] : memref<40x125xi32, #tpu.memory_space<vmem>> -> memref<1x125xi32, #tpu.memory_space<vmem>>
      %dma_wait3A_80 = tpu.memref_squeeze %dma_wait3A_79 : memref<1x125xi32, #tpu.memory_space<vmem>> -> memref<125xi32, #tpu.memory_space<vmem>>
      %dma_wait3A_81 = arith.constant 0 : i32
      %dma_wait3A_82 = arith.constant 0 : i32
      %dma_wait3A_83 = tpu.memref_slice %arg2[%dma_wait3A_81, %dma_wait3A_82] : memref<80000x128xf32, #tpu.memory_space<hbm>> -> memref<80000x128xf32, #tpu.memory_space<hbm>>
      tpu.wait_indirect_dma semaphore(%arg11 : memref<!tpu.dma_semaphore, #tpu.memory_space<semaphore_mem>>) src(%dma_wait3A_83 : memref<80000x128xf32, #tpu.memory_space<hbm>>) dst(%dma_wait3A_77 : memref<125x128xf32, #tpu.memory_space<vmem>>)
      "tpu.region"() ({
        %run_scoped3A = tpu.sem_alloc : memref<!tpu.dma_semaphore, #tpu.memory_space<semaphore_mem>>
        %dma_start3A_109 = arith.constant 0 : i32
        %dma_start3A_110 = arith.constant 0 : i32
        %dma_start3A_111 = tpu.memref_slice %arg9[%scan3A_58, %dma_start3A_109, %dma_start3A_110] : memref<2x125x128xf32, #tpu.memory_space<vmem>> -> memref<1x125x128xf32, #tpu.memory_space<vmem>>
        %dma_start3A_112 = tpu.memref_squeeze %dma_start3A_111 : memref<1x125x128xf32, #tpu.memory_space<vmem>> -> memref<125x128xf32, #tpu.memory_space<vmem>>
        %dma_start3A_113 = arith.constant 0 : i32
        %dma_start3A_114 = tpu.memref_slice %arg8[%add3A_74, %dma_start3A_113] : memref<40x125xi32, #tpu.memory_space<vmem>> -> memref<1x125xi32, #tpu.memory_space<vmem>>
        %dma_start3A_115 = tpu.memref_squeeze %dma_start3A_114 : memref<1x125xi32, #tpu.memory_space<vmem>> -> memref<125xi32, #tpu.memory_space<vmem>>
        %dma_start3A_116 = arith.constant 0 : i32
        %dma_start3A_117 = arith.constant 0 : i32
        %dma_start3A_118 = tpu.memref_slice %arg10[%dma_start3A_116, %dma_start3A_117] : memref<10240x128xf32, #tpu.memory_space<vmem_shared>> -> memref<10240x128xf32, #tpu.memory_space<vmem_shared>>
        tpu.enqueue_indirect_dma source(%dma_start3A_112 : memref<125x128xf32, #tpu.memory_space<vmem>>) target(%dma_start3A_118 : memref<10240x128xf32, #tpu.memory_space<vmem_shared>>) offsets(%dma_start3A_115 : memref<125xi32, #tpu.memory_space<vmem>>) semaphore(%run_scoped3A : memref<!tpu.dma_semaphore, #tpu.memory_space<semaphore_mem>>) {add = true}
        %dma_wait3A_119 = arith.constant 0 : i32
        %dma_wait3A_120 = arith.constant 0 : i32
        %dma_wait3A_121 = tpu.memref_slice %arg9[%scan3A_58, %dma_wait3A_119, %dma_wait3A_120] : memref<2x125x128xf32, #tpu.memory_space<vmem>> -> memref<1x125x128xf32, #tpu.memory_space<vmem>>
        %dma_wait3A_122 = tpu.memref_squeeze %dma_wait3A_121 : memref<1x125x128xf32, #tpu.memory_space<vmem>> -> memref<125x128xf32, #tpu.memory_space<vmem>>
        %dma_wait3A_123 = arith.constant 0 : i32
        %dma_wait3A_124 = tpu.memref_slice %arg8[%add3A_74, %dma_wait3A_123] : memref<40x125xi32, #tpu.memory_space<vmem>> -> memref<1x125xi32, #tpu.memory_space<vmem>>
        %dma_wait3A_125 = tpu.memref_squeeze %dma_wait3A_124 : memref<1x125xi32, #tpu.memory_space<vmem>> -> memref<125xi32, #tpu.memory_space<vmem>>
        %dma_wait3A_126 = arith.constant 0 : i32
        %dma_wait3A_127 = arith.constant 0 : i32
        %dma_wait3A_128 = tpu.memref_slice %arg10[%dma_wait3A_126, %dma_wait3A_127] : memref<10240x128xf32, #tpu.memory_space<vmem_shared>> -> memref<10240x128xf32, #tpu.memory_space<vmem_shared>>
        tpu.wait_indirect_dma semaphore(%run_scoped3A : memref<!tpu.dma_semaphore, #tpu.memory_space<semaphore_mem>>) src(%dma_wait3A_122 : memref<125x128xf32, #tpu.memory_space<vmem>>) dst(%dma_wait3A_128 : memref<10240x128xf32, #tpu.memory_space<vmem_shared>>)
        tpu.yield
      }) : () -> ()
      %add3A_84 = arith.constant 2 : i32
      %add3A_85 = arith.addi %add3A_74, %add3A_84 : i32
      %lt3A = arith.constant 40 : i32
      %lt3A_86 = arith.cmpi slt, %add3A_85, %lt3A : i32
      %convert_element_type3A = arith.extui %lt3A_86 : i1 to i32
      %cond3A = arith.constant 0 : i32
      %cond3A_87 = arith.cmpi ne, %convert_element_type3A, %cond3A : i32
      scf.if %cond3A_87 {
        %add3A_109 = arith.constant 2 : i32
        %add3A_110 = arith.addi %add3A_74, %add3A_109 : i32
        %dma_start3A_111 = arith.constant 0 : i32
        %dma_start3A_112 = arith.constant 0 : i32
        %dma_start3A_113 = tpu.memref_slice %arg9[%scan3A_58, %dma_start3A_111, %dma_start3A_112] : memref<2x125x128xf32, #tpu.memory_space<vmem>> -> memref<1x125x128xf32, #tpu.memory_space<vmem>>
        %dma_start3A_114 = tpu.memref_squeeze %dma_start3A_113 : memref<1x125x128xf32, #tpu.memory_space<vmem>> -> memref<125x128xf32, #tpu.memory_space<vmem>>
        %dma_start3A_115 = arith.constant 0 : i32
        %dma_start3A_116 = tpu.memref_slice %arg7[%add3A_110, %dma_start3A_115] : memref<40x125xi32, #tpu.memory_space<vmem>> -> memref<1x125xi32, #tpu.memory_space<vmem>>
        %dma_start3A_117 = tpu.memref_squeeze %dma_start3A_116 : memref<1x125xi32, #tpu.memory_space<vmem>> -> memref<125xi32, #tpu.memory_space<vmem>>
        %dma_start3A_118 = arith.constant 0 : i32
        %dma_start3A_119 = arith.constant 0 : i32
        %dma_start3A_120 = tpu.memref_slice %arg2[%dma_start3A_118, %dma_start3A_119] : memref<80000x128xf32, #tpu.memory_space<hbm>> -> memref<80000x128xf32, #tpu.memory_space<hbm>>
        tpu.enqueue_indirect_dma source(%dma_start3A_120 : memref<80000x128xf32, #tpu.memory_space<hbm>>) target(%dma_start3A_114 : memref<125x128xf32, #tpu.memory_space<vmem>>) offsets(%dma_start3A_117 : memref<125xi32, #tpu.memory_space<vmem>>) semaphore(%arg11 : memref<!tpu.dma_semaphore, #tpu.memory_space<semaphore_mem>>)
      } else {
      }
      %add3A_88 = arith.constant 1 : i32
      %add3A_89 = arith.addi %add3A_74, %add3A_88 : i32
      %dma_wait3A_90 = arith.constant 0 : i32
      %dma_wait3A_91 = arith.constant 0 : i32
      %dma_wait3A_92 = tpu.memref_slice %arg9[%scan3A_59, %dma_wait3A_90, %dma_wait3A_91] : memref<2x125x128xf32, #tpu.memory_space<vmem>> -> memref<1x125x128xf32, #tpu.memory_space<vmem>>
      %dma_wait3A_93 = tpu.memref_squeeze %dma_wait3A_92 : memref<1x125x128xf32, #tpu.memory_space<vmem>> -> memref<125x128xf32, #tpu.memory_space<vmem>>
      %dma_wait3A_94 = arith.constant 0 : i32
      %dma_wait3A_95 = tpu.memref_slice %arg7[%add3A_89, %dma_wait3A_94] : memref<40x125xi32, #tpu.memory_space<vmem>> -> memref<1x125xi32, #tpu.memory_space<vmem>>
      %dma_wait3A_96 = tpu.memref_squeeze %dma_wait3A_95 : memref<1x125xi32, #tpu.memory_space<vmem>> -> memref<125xi32, #tpu.memory_space<vmem>>
      %dma_wait3A_97 = arith.constant 0 : i32
      %dma_wait3A_98 = arith.constant 0 : i32
      %dma_wait3A_99 = tpu.memref_slice %arg2[%dma_wait3A_97, %dma_wait3A_98] : memref<80000x128xf32, #tpu.memory_space<hbm>> -> memref<80000x128xf32, #tpu.memory_space<hbm>>
      tpu.wait_indirect_dma semaphore(%arg12 : memref<!tpu.dma_semaphore, #tpu.memory_space<semaphore_mem>>) src(%dma_wait3A_99 : memref<80000x128xf32, #tpu.memory_space<hbm>>) dst(%dma_wait3A_93 : memref<125x128xf32, #tpu.memory_space<vmem>>)
      %add3A_100 = arith.constant 1 : i32
      %add3A_101 = arith.addi %add3A_74, %add3A_100 : i32
      "tpu.region"() ({
        %run_scoped3A = tpu.sem_alloc : memref<!tpu.dma_semaphore, #tpu.memory_space<semaphore_mem>>
        %dma_start3A_109 = arith.constant 0 : i32
        %dma_start3A_110 = arith.constant 0 : i32
        %dma_start3A_111 = tpu.memref_slice %arg9[%scan3A_59, %dma_start3A_109, %dma_start3A_110] : memref<2x125x128xf32, #tpu.memory_space<vmem>> -> memref<1x125x128xf32, #tpu.memory_space<vmem>>
        %dma_start3A_112 = tpu.memref_squeeze %dma_start3A_111 : memref<1x125x128xf32, #tpu.memory_space<vmem>> -> memref<125x128xf32, #tpu.memory_space<vmem>>
        %dma_start3A_113 = arith.constant 0 : i32
        %dma_start3A_114 = tpu.memref_slice %arg8[%add3A_101, %dma_start3A_113] : memref<40x125xi32, #tpu.memory_space<vmem>> -> memref<1x125xi32, #tpu.memory_space<vmem>>
        %dma_start3A_115 = tpu.memref_squeeze %dma_start3A_114 : memref<1x125xi32, #tpu.memory_space<vmem>> -> memref<125xi32, #tpu.memory_space<vmem>>
        %dma_start3A_116 = arith.constant 0 : i32
        %dma_start3A_117 = arith.constant 0 : i32
        %dma_start3A_118 = tpu.memref_slice %arg10[%dma_start3A_116, %dma_start3A_117] : memref<10240x128xf32, #tpu.memory_space<vmem_shared>> -> memref<10240x128xf32, #tpu.memory_space<vmem_shared>>
        tpu.enqueue_indirect_dma source(%dma_start3A_112 : memref<125x128xf32, #tpu.memory_space<vmem>>) target(%dma_start3A_118 : memref<10240x128xf32, #tpu.memory_space<vmem_shared>>) offsets(%dma_start3A_115 : memref<125xi32, #tpu.memory_space<vmem>>) semaphore(%run_scoped3A : memref<!tpu.dma_semaphore, #tpu.memory_space<semaphore_mem>>) {add = true}
        %dma_wait3A_119 = arith.constant 0 : i32
        %dma_wait3A_120 = arith.constant 0 : i32
        %dma_wait3A_121 = tpu.memref_slice %arg9[%scan3A_59, %dma_wait3A_119, %dma_wait3A_120] : memref<2x125x128xf32, #tpu.memory_space<vmem>> -> memref<1x125x128xf32, #tpu.memory_space<vmem>>
        %dma_wait3A_122 = tpu.memref_squeeze %dma_wait3A_121 : memref<1x125x128xf32, #tpu.memory_space<vmem>> -> memref<125x128xf32, #tpu.memory_space<vmem>>
        %dma_wait3A_123 = arith.constant 0 : i32
        %dma_wait3A_124 = tpu.memref_slice %arg8[%add3A_101, %dma_wait3A_123] : memref<40x125xi32, #tpu.memory_space<vmem>> -> memref<1x125xi32, #tpu.memory_space<vmem>>
        %dma_wait3A_125 = tpu.memref_squeeze %dma_wait3A_124 : memref<1x125xi32, #tpu.memory_space<vmem>> -> memref<125xi32, #tpu.memory_space<vmem>>
        %dma_wait3A_126 = arith.constant 0 : i32
        %dma_wait3A_127 = arith.constant 0 : i32
        %dma_wait3A_128 = tpu.memref_slice %arg10[%dma_wait3A_126, %dma_wait3A_127] : memref<10240x128xf32, #tpu.memory_space<vmem_shared>> -> memref<10240x128xf32, #tpu.memory_space<vmem_shared>>
        tpu.wait_indirect_dma semaphore(%run_scoped3A : memref<!tpu.dma_semaphore, #tpu.memory_space<semaphore_mem>>) src(%dma_wait3A_122 : memref<125x128xf32, #tpu.memory_space<vmem>>) dst(%dma_wait3A_128 : memref<10240x128xf32, #tpu.memory_space<vmem_shared>>)
        tpu.yield
      }) : () -> ()
      %add3A_102 = arith.constant 3 : i32
      %add3A_103 = arith.addi %add3A_74, %add3A_102 : i32
      %lt3A_104 = arith.constant 40 : i32
      %lt3A_105 = arith.cmpi slt, %add3A_103, %lt3A_104 : i32
      %convert_element_type3A_106 = arith.extui %lt3A_105 : i1 to i32
      %cond3A_107 = arith.constant 0 : i32
      %cond3A_108 = arith.cmpi ne, %convert_element_type3A_106, %cond3A_107 : i32
      scf.if %cond3A_108 {
        %add3A_109 = arith.constant 3 : i32
        %add3A_110 = arith.addi %add3A_74, %add3A_109 : i32
        %dma_start3A_111 = arith.constant 0 : i32
        %dma_start3A_112 = arith.constant 0 : i32
        %dma_start3A_113 = tpu.memref_slice %arg9[%scan3A_59, %dma_start3A_111, %dma_start3A_112] : memref<2x125x128xf32, #tpu.memory_space<vmem>> -> memref<1x125x128xf32, #tpu.memory_space<vmem>>
        %dma_start3A_114 = tpu.memref_squeeze %dma_start3A_113 : memref<1x125x128xf32, #tpu.memory_space<vmem>> -> memref<125x128xf32, #tpu.memory_space<vmem>>
        %dma_start3A_115 = arith.constant 0 : i32
        %dma_start3A_116 = tpu.memref_slice %arg7[%add3A_110, %dma_start3A_115] : memref<40x125xi32, #tpu.memory_space<vmem>> -> memref<1x125xi32, #tpu.memory_space<vmem>>
        %dma_start3A_117 = tpu.memref_squeeze %dma_start3A_116 : memref<1x125xi32, #tpu.memory_space<vmem>> -> memref<125xi32, #tpu.memory_space<vmem>>
        %dma_start3A_118 = arith.constant 0 : i32
        %dma_start3A_119 = arith.constant 0 : i32
        %dma_start3A_120 = tpu.memref_slice %arg2[%dma_start3A_118, %dma_start3A_119] : memref<80000x128xf32, #tpu.memory_space<hbm>> -> memref<80000x128xf32, #tpu.memory_space<hbm>>
        tpu.enqueue_indirect_dma source(%dma_start3A_120 : memref<80000x128xf32, #tpu.memory_space<hbm>>) target(%dma_start3A_114 : memref<125x128xf32, #tpu.memory_space<vmem>>) offsets(%dma_start3A_117 : memref<125xi32, #tpu.memory_space<vmem>>) semaphore(%arg12 : memref<!tpu.dma_semaphore, #tpu.memory_space<semaphore_mem>>)
      } else {
      }
    }
    %scan3A_64 = arith.constant 20 : i32
    %barrier3A_65 = arith.constant 0 : index
    tpu.barrier barrier_id(%barrier3A_65)
    %mul3A_66 = arith.constant 640 : i32
    %mul3A_67 = arith.muli %arg1, %mul3A_66 : i32
    %mul3A_68 = arith.constant 640 : i32
    %mul3A_69 = arith.muli %arg1, %mul3A_68 : i32
    "tpu.region"() ({
      %run_scoped3A = tpu.sem_alloc : memref<!tpu.dma_semaphore, #tpu.memory_space<semaphore_mem>>
      %dma_start3A_70 = arith.constant 0 : i32
      %dma_start3A_71 = tpu.memref_slice %arg6[%arg0, %mul3A_69, %dma_start3A_70] : memref<2x10240x128xf32, #tpu.memory_space<hbm>> -> memref<1x640x128xf32, #tpu.memory_space<hbm>>
      %dma_start3A_72 = tpu.memref_squeeze %dma_start3A_71 : memref<1x640x128xf32, #tpu.memory_space<hbm>> -> memref<640x128xf32, #tpu.memory_space<hbm>>
      %dma_start3A_73 = arith.constant 0 : i32
      %dma_start3A_74 = tpu.memref_slice %arg10[%mul3A_67, %dma_start3A_73] : memref<10240x128xf32, #tpu.memory_space<vmem_shared>> -> memref<640x128xf32, #tpu.memory_space<vmem_shared>>
      tpu.enqueue_dma source(%dma_start3A_74 : memref<640x128xf32, #tpu.memory_space<vmem_shared>>) target(%dma_start3A_72 : memref<640x128xf32, #tpu.memory_space<hbm>>) target_semaphore(%run_scoped3A : memref<!tpu.dma_semaphore, #tpu.memory_space<semaphore_mem>>)
      %dma_wait3A = arith.constant 0 : i32
      %dma_wait3A_75 = tpu.memref_slice %arg6[%arg0, %mul3A_69, %dma_wait3A] : memref<2x10240x128xf32, #tpu.memory_space<hbm>> -> memref<1x640x128xf32, #tpu.memory_space<hbm>>
      %dma_wait3A_76 = tpu.memref_squeeze %dma_wait3A_75 : memref<1x640x128xf32, #tpu.memory_space<hbm>> -> memref<640x128xf32, #tpu.memory_space<hbm>>
      %dma_wait3A_77 = arith.constant 0 : i32
      %dma_wait3A_78 = tpu.memref_slice %arg10[%mul3A_67, %dma_wait3A_77] : memref<10240x128xf32, #tpu.memory_space<vmem_shared>> -> memref<640x128xf32, #tpu.memory_space<vmem_shared>>
      tpu.wait_dma2 semaphore(%run_scoped3A : memref<!tpu.dma_semaphore, #tpu.memory_space<semaphore_mem>>) src(%dma_wait3A_78 : memref<640x128xf32, #tpu.memory_space<vmem_shared>>) dst(%dma_wait3A_76 : memref<640x128xf32, #tpu.memory_space<hbm>>)
      tpu.yield
    }) : () -> ()
    return
  }
}

#map = affine_map<(d0, d1) -> (0, 0)>
#map1 = affine_map<(d0, d1) -> (0, 0, 0)>
module attributes {stable_mosaic.version = 14 : i64} {
  func.func @body(%arg0: i32, %arg1: i32, %arg2: memref<80000x128xf32, #tpu.memory_space<hbm>>, %arg3: memref<32x80x125xi32, #tpu.memory_space<hbm>>, %arg4: memref<32x80x125xi32, #tpu.memory_space<hbm>>, %arg5: memref<10240x128xf32, #tpu.memory_space<hbm>>, %arg6: memref<2x10240x128xf32, #tpu.memory_space<hbm>>, %arg7: memref<40x125xi32, #tpu.memory_space<vmem>>, %arg8: memref<40x125xi32, #tpu.memory_space<vmem>>, %arg9: memref<2x125x128xf32, #tpu.memory_space<vmem>>, %arg10: memref<10240x128xf32, #tpu.memory_space<vmem_shared>>, %arg11: memref<!tpu.dma_semaphore, #tpu.memory_space<semaphore_mem>>, %arg12: memref<!tpu.dma_semaphore, #tpu.memory_space<semaphore_mem>>) attributes {dimension_semantics = [#tpu.dimension_semantics<core_parallel>, #tpu.dimension_semantics<subcore_parallel>], iteration_bounds = array<i64: 2, 16>, scalar_prefetch = 0 : i64, scratch_operands = 6 : i64, tpu.core_type = #tpu.core_type<sc_vector_subcore>, window_params = [{transform_indices = #map}, {transform_indices = #map1}, {transform_indices = #map1}, {transform_indices = #map}, {transform_indices = #map1}]} {
    %mul3A = arith.constant 2 : i32
    %mul3A_0 = arith.muli %arg1, %mul3A : i32
    %add3A = arith.addi %mul3A_0, %arg0 : i32
    %mul3A_1 = arith.constant 640 : i32
    %mul3A_2 = arith.muli %arg1, %mul3A_1 : i32
    %mul3A_3 = arith.constant 640 : i32
    %mul3A_4 = arith.muli %arg1, %mul3A_3 : i32
    "tpu.region"() ({
      %run_scoped3A = tpu.sem_alloc : memref<!tpu.dma_semaphore, #tpu.memory_space<semaphore_mem>>
      %dma_start3A_70 = arith.constant 0 : i32
      %dma_start3A_71 = tpu.memref_slice %arg10[%mul3A_4, %dma_start3A_70] : memref<10240x128xf32, #tpu.memory_space<vmem_shared>> -> memref<640x128xf32, #tpu.memory_space<vmem_shared>>
      %dma_start3A_72 = arith.constant 0 : i32
      %dma_start3A_73 = tpu.memref_slice %arg5[%mul3A_2, %dma_start3A_72] : memref<10240x128xf32, #tpu.memory_space<hbm>> -> memref<640x128xf32, #tpu.memory_space<hbm>>
      tpu.enqueue_dma source(%dma_start3A_73 : memref<640x128xf32, #tpu.memory_space<hbm>>) target(%dma_start3A_71 : memref<640x128xf32, #tpu.memory_space<vmem_shared>>) target_semaphore(%run_scoped3A : memref<!tpu.dma_semaphore, #tpu.memory_space<semaphore_mem>>)
      %dma_wait3A = arith.constant 0 : i32
      %dma_wait3A_74 = tpu.memref_slice %arg10[%mul3A_4, %dma_wait3A] : memref<10240x128xf32, #tpu.memory_space<vmem_shared>> -> memref<640x128xf32, #tpu.memory_space<vmem_shared>>
      %dma_wait3A_75 = arith.constant 0 : i32
      %dma_wait3A_76 = tpu.memref_slice %arg5[%mul3A_2, %dma_wait3A_75] : memref<10240x128xf32, #tpu.memory_space<hbm>> -> memref<640x128xf32, #tpu.memory_space<hbm>>
      tpu.wait_dma2 semaphore(%run_scoped3A : memref<!tpu.dma_semaphore, #tpu.memory_space<semaphore_mem>>) src(%dma_wait3A_76 : memref<640x128xf32, #tpu.memory_space<hbm>>) dst(%dma_wait3A_74 : memref<640x128xf32, #tpu.memory_space<vmem_shared>>)
      tpu.yield
    }) : () -> ()
    %barrier3A = arith.constant 0 : index
    tpu.barrier barrier_id(%barrier3A)
    "tpu.region"() ({
      %run_scoped3A = tpu.sem_alloc : memref<!tpu.dma_semaphore, #tpu.memory_space<semaphore_mem>>
      %dma_start3A_70 = arith.constant 0 : i32
      %dma_start3A_71 = arith.constant 0 : i32
      %dma_start3A_72 = tpu.memref_slice %arg3[%add3A, %dma_start3A_70, %dma_start3A_71] : memref<32x80x125xi32, #tpu.memory_space<hbm>> -> memref<1x80x125xi32, #tpu.memory_space<hbm>>
      %dma_start3A_73 = tpu.memref_squeeze %dma_start3A_72 : memref<1x80x125xi32, #tpu.memory_space<hbm>> -> memref<80x125xi32, #tpu.memory_space<hbm>>
      %dma_start3A_74 = arith.constant 0 : i32
      %dma_start3A_75 = arith.constant 0 : i32
      %dma_start3A_76 = tpu.memref_slice %dma_start3A_73[%dma_start3A_74, %dma_start3A_75] : memref<80x125xi32, #tpu.memory_space<hbm>> -> memref<40x125xi32, #tpu.memory_space<hbm>>
      %dma_start3A_77 = arith.constant 0 : i32
      %dma_start3A_78 = arith.constant 0 : i32
      %dma_start3A_79 = tpu.memref_slice %arg3[%add3A, %dma_start3A_77, %dma_start3A_78] : memref<32x80x125xi32, #tpu.memory_space<hbm>> -> memref<1x80x125xi32, #tpu.memory_space<hbm>>
      %dma_start3A_80 = tpu.memref_squeeze %dma_start3A_79 : memref<1x80x125xi32, #tpu.memory_space<hbm>> -> memref<80x125xi32, #tpu.memory_space<hbm>>
      %dma_start3A_81 = arith.constant 0 : i32
      %dma_start3A_82 = arith.constant 0 : i32
      %dma_start3A_83 = tpu.memref_slice %dma_start3A_80[%dma_start3A_81, %dma_start3A_82] : memref<80x125xi32, #tpu.memory_space<hbm>> -> memref<40x125xi32, #tpu.memory_space<hbm>>
      tpu.enqueue_dma source(%dma_start3A_83 : memref<40x125xi32, #tpu.memory_space<hbm>>) target(%arg7 : memref<40x125xi32, #tpu.memory_space<vmem>>) target_semaphore(%run_scoped3A : memref<!tpu.dma_semaphore, #tpu.memory_space<semaphore_mem>>)
      %dma_wait3A = arith.constant 0 : i32
      %dma_wait3A_84 = arith.constant 0 : i32
      %dma_wait3A_85 = tpu.memref_slice %arg3[%add3A, %dma_wait3A, %dma_wait3A_84] : memref<32x80x125xi32, #tpu.memory_space<hbm>> -> memref<1x80x125xi32, #tpu.memory_space<hbm>>
      %dma_wait3A_86 = tpu.memref_squeeze %dma_wait3A_85 : memref<1x80x125xi32, #tpu.memory_space<hbm>> -> memref<80x125xi32, #tpu.memory_space<hbm>>
      %dma_wait3A_87 = arith.constant 0 : i32
      %dma_wait3A_88 = arith.constant 0 : i32
      %dma_wait3A_89 = tpu.memref_slice %dma_wait3A_86[%dma_wait3A_87, %dma_wait3A_88] : memref<80x125xi32, #tpu.memory_space<hbm>> -> memref<40x125xi32, #tpu.memory_space<hbm>>
      %dma_wait3A_90 = arith.constant 0 : i32
      %dma_wait3A_91 = arith.constant 0 : i32
      %dma_wait3A_92 = tpu.memref_slice %arg3[%add3A, %dma_wait3A_90, %dma_wait3A_91] : memref<32x80x125xi32, #tpu.memory_space<hbm>> -> memref<1x80x125xi32, #tpu.memory_space<hbm>>
      %dma_wait3A_93 = tpu.memref_squeeze %dma_wait3A_92 : memref<1x80x125xi32, #tpu.memory_space<hbm>> -> memref<80x125xi32, #tpu.memory_space<hbm>>
      %dma_wait3A_94 = arith.constant 0 : i32
      %dma_wait3A_95 = arith.constant 0 : i32
      %dma_wait3A_96 = tpu.memref_slice %dma_wait3A_93[%dma_wait3A_94, %dma_wait3A_95] : memref<80x125xi32, #tpu.memory_space<hbm>> -> memref<40x125xi32, #tpu.memory_space<hbm>>
      tpu.wait_dma2 semaphore(%run_scoped3A : memref<!tpu.dma_semaphore, #tpu.memory_space<semaphore_mem>>) src(%dma_wait3A_96 : memref<40x125xi32, #tpu.memory_space<hbm>>) dst(%arg7 : memref<40x125xi32, #tpu.memory_space<vmem>>)
      tpu.yield
    }) : () -> ()
    "tpu.region"() ({
      %run_scoped3A = tpu.sem_alloc : memref<!tpu.dma_semaphore, #tpu.memory_space<semaphore_mem>>
      %dma_start3A_70 = arith.constant 0 : i32
      %dma_start3A_71 = arith.constant 0 : i32
      %dma_start3A_72 = tpu.memref_slice %arg4[%add3A, %dma_start3A_70, %dma_start3A_71] : memref<32x80x125xi32, #tpu.memory_space<hbm>> -> memref<1x80x125xi32, #tpu.memory_space<hbm>>
      %dma_start3A_73 = tpu.memref_squeeze %dma_start3A_72 : memref<1x80x125xi32, #tpu.memory_space<hbm>> -> memref<80x125xi32, #tpu.memory_space<hbm>>
      %dma_start3A_74 = arith.constant 0 : i32
      %dma_start3A_75 = arith.constant 0 : i32
      %dma_start3A_76 = tpu.memref_slice %dma_start3A_73[%dma_start3A_74, %dma_start3A_75] : memref<80x125xi32, #tpu.memory_space<hbm>> -> memref<40x125xi32, #tpu.memory_space<hbm>>
      %dma_start3A_77 = arith.constant 0 : i32
      %dma_start3A_78 = arith.constant 0 : i32
      %dma_start3A_79 = tpu.memref_slice %arg4[%add3A, %dma_start3A_77, %dma_start3A_78] : memref<32x80x125xi32, #tpu.memory_space<hbm>> -> memref<1x80x125xi32, #tpu.memory_space<hbm>>
      %dma_start3A_80 = tpu.memref_squeeze %dma_start3A_79 : memref<1x80x125xi32, #tpu.memory_space<hbm>> -> memref<80x125xi32, #tpu.memory_space<hbm>>
      %dma_start3A_81 = arith.constant 0 : i32
      %dma_start3A_82 = arith.constant 0 : i32
      %dma_start3A_83 = tpu.memref_slice %dma_start3A_80[%dma_start3A_81, %dma_start3A_82] : memref<80x125xi32, #tpu.memory_space<hbm>> -> memref<40x125xi32, #tpu.memory_space<hbm>>
      tpu.enqueue_dma source(%dma_start3A_83 : memref<40x125xi32, #tpu.memory_space<hbm>>) target(%arg8 : memref<40x125xi32, #tpu.memory_space<vmem>>) target_semaphore(%run_scoped3A : memref<!tpu.dma_semaphore, #tpu.memory_space<semaphore_mem>>)
      %dma_wait3A = arith.constant 0 : i32
      %dma_wait3A_84 = arith.constant 0 : i32
      %dma_wait3A_85 = tpu.memref_slice %arg4[%add3A, %dma_wait3A, %dma_wait3A_84] : memref<32x80x125xi32, #tpu.memory_space<hbm>> -> memref<1x80x125xi32, #tpu.memory_space<hbm>>
      %dma_wait3A_86 = tpu.memref_squeeze %dma_wait3A_85 : memref<1x80x125xi32, #tpu.memory_space<hbm>> -> memref<80x125xi32, #tpu.memory_space<hbm>>
      %dma_wait3A_87 = arith.constant 0 : i32
      %dma_wait3A_88 = arith.constant 0 : i32
      %dma_wait3A_89 = tpu.memref_slice %dma_wait3A_86[%dma_wait3A_87, %dma_wait3A_88] : memref<80x125xi32, #tpu.memory_space<hbm>> -> memref<40x125xi32, #tpu.memory_space<hbm>>
      %dma_wait3A_90 = arith.constant 0 : i32
      %dma_wait3A_91 = arith.constant 0 : i32
      %dma_wait3A_92 = tpu.memref_slice %arg4[%add3A, %dma_wait3A_90, %dma_wait3A_91] : memref<32x80x125xi32, #tpu.memory_space<hbm>> -> memref<1x80x125xi32, #tpu.memory_space<hbm>>
      %dma_wait3A_93 = tpu.memref_squeeze %dma_wait3A_92 : memref<1x80x125xi32, #tpu.memory_space<hbm>> -> memref<80x125xi32, #tpu.memory_space<hbm>>
      %dma_wait3A_94 = arith.constant 0 : i32
      %dma_wait3A_95 = arith.constant 0 : i32
      %dma_wait3A_96 = tpu.memref_slice %dma_wait3A_93[%dma_wait3A_94, %dma_wait3A_95] : memref<80x125xi32, #tpu.memory_space<hbm>> -> memref<40x125xi32, #tpu.memory_space<hbm>>
      tpu.wait_dma2 semaphore(%run_scoped3A : memref<!tpu.dma_semaphore, #tpu.memory_space<semaphore_mem>>) src(%dma_wait3A_96 : memref<40x125xi32, #tpu.memory_space<hbm>>) dst(%arg8 : memref<40x125xi32, #tpu.memory_space<vmem>>)
      tpu.yield
    }) : () -> ()
    %dma_start3A = arith.constant 0 : i32
    %dma_start3A_5 = arith.constant 0 : i32
    %dma_start3A_6 = arith.constant 0 : i32
    %dma_start3A_7 = arith.constant 0 : i32
    %dma_start3A_8 = tpu.memref_slice %arg9[%dma_start3A_5, %dma_start3A_6, %dma_start3A_7] : memref<2x125x128xf32, #tpu.memory_space<vmem>> -> memref<1x125x128xf32, #tpu.memory_space<vmem>>
    %dma_start3A_9 = tpu.memref_squeeze %dma_start3A_8 : memref<1x125x128xf32, #tpu.memory_space<vmem>> -> memref<125x128xf32, #tpu.memory_space<vmem>>
    %dma_start3A_10 = arith.constant 0 : i32
    %dma_start3A_11 = tpu.memref_slice %arg7[%dma_start3A, %dma_start3A_10] : memref<40x125xi32, #tpu.memory_space<vmem>> -> memref<1x125xi32, #tpu.memory_space<vmem>>
    %dma_start3A_12 = tpu.memref_squeeze %dma_start3A_11 : memref<1x125xi32, #tpu.memory_space<vmem>> -> memref<125xi32, #tpu.memory_space<vmem>>
    %dma_start3A_13 = arith.constant 0 : i32
    %dma_start3A_14 = arith.constant 0 : i32
    %dma_start3A_15 = tpu.memref_slice %arg2[%dma_start3A_13, %dma_start3A_14] : memref<80000x128xf32, #tpu.memory_space<hbm>> -> memref<80000x128xf32, #tpu.memory_space<hbm>>
    tpu.enqueue_indirect_dma source(%dma_start3A_15 : memref<80000x128xf32, #tpu.memory_space<hbm>>) target(%dma_start3A_9 : memref<125x128xf32, #tpu.memory_space<vmem>>) offsets(%dma_start3A_12 : memref<125xi32, #tpu.memory_space<vmem>>) semaphore(%arg11 : memref<!tpu.dma_semaphore, #tpu.memory_space<semaphore_mem>>)
    %dma_start3A_16 = arith.constant 1 : i32
    %dma_start3A_17 = arith.constant 1 : i32
    %dma_start3A_18 = arith.constant 0 : i32
    %dma_start3A_19 = arith.constant 0 : i32
    %dma_start3A_20 = tpu.memref_slice %arg9[%dma_start3A_17, %dma_start3A_18, %dma_start3A_19] : memref<2x125x128xf32, #tpu.memory_space<vmem>> -> memref<1x125x128xf32, #tpu.memory_space<vmem>>
    %dma_start3A_21 = tpu.memref_squeeze %dma_start3A_20 : memref<1x125x128xf32, #tpu.memory_space<vmem>> -> memref<125x128xf32, #tpu.memory_space<vmem>>
    %dma_start3A_22 = arith.constant 0 : i32
    %dma_start3A_23 = tpu.memref_slice %arg7[%dma_start3A_16, %dma_start3A_22] : memref<40x125xi32, #tpu.memory_space<vmem>> -> memref<1x125xi32, #tpu.memory_space<vmem>>
    %dma_start3A_24 = tpu.memref_squeeze %dma_start3A_23 : memref<1x125xi32, #tpu.memory_space<vmem>> -> memref<125xi32, #tpu.memory_space<vmem>>
    %dma_start3A_25 = arith.constant 0 : i32
    %dma_start3A_26 = arith.constant 0 : i32
    %dma_start3A_27 = tpu.memref_slice %arg2[%dma_start3A_25, %dma_start3A_26] : memref<80000x128xf32, #tpu.memory_space<hbm>> -> memref<80000x128xf32, #tpu.memory_space<hbm>>
    tpu.enqueue_indirect_dma source(%dma_start3A_27 : memref<80000x128xf32, #tpu.memory_space<hbm>>) target(%dma_start3A_21 : memref<125x128xf32, #tpu.memory_space<vmem>>) offsets(%dma_start3A_24 : memref<125xi32, #tpu.memory_space<vmem>>) semaphore(%arg12 : memref<!tpu.dma_semaphore, #tpu.memory_space<semaphore_mem>>)
    %scan3A = arith.constant 0 : i32
    %scan3A_28 = arith.constant 1 : i32
    %scan3A_29 = arith.constant 0 : i32
    %scan3A_30 = arith.constant 20 : i32
    %scan3A_31 = arith.addi %scan3A_29, %scan3A_30 : i32
    %scan3A_32 = arith.constant 1 : i32
    scf.for %scan3A_70 = %scan3A_29 to %scan3A_31 step %scan3A_32  : i32 {
      %mul3A_71 = arith.constant 2 : i32
      %mul3A_72 = arith.muli %scan3A_70, %mul3A_71 : i32
      %add3A_73 = arith.constant 0 : i32
      %add3A_74 = arith.addi %add3A_73, %mul3A_72 : i32
      %dma_wait3A = arith.constant 0 : i32
      %dma_wait3A_75 = arith.constant 0 : i32
      %dma_wait3A_76 = tpu.memref_slice %arg9[%scan3A, %dma_wait3A, %dma_wait3A_75] : memref<2x125x128xf32, #tpu.memory_space<vmem>> -> memref<1x125x128xf32, #tpu.memory_space<vmem>>
      %dma_wait3A_77 = tpu.memref_squeeze %dma_wait3A_76 : memref<1x125x128xf32, #tpu.memory_space<vmem>> -> memref<125x128xf32, #tpu.memory_space<vmem>>
      %dma_wait3A_78 = arith.constant 0 : i32
      %dma_wait3A_79 = tpu.memref_slice %arg7[%add3A_74, %dma_wait3A_78] : memref<40x125xi32, #tpu.memory_space<vmem>> -> memref<1x125xi32, #tpu.memory_space<vmem>>
      %dma_wait3A_80 = tpu.memref_squeeze %dma_wait3A_79 : memref<1x125xi32, #tpu.memory_space<vmem>> -> memref<125xi32, #tpu.memory_space<vmem>>
      %dma_wait3A_81 = arith.constant 0 : i32
      %dma_wait3A_82 = arith.constant 0 : i32
      %dma_wait3A_83 = tpu.memref_slice %arg2[%dma_wait3A_81, %dma_wait3A_82] : memref<80000x128xf32, #tpu.memory_space<hbm>> -> memref<80000x128xf32, #tpu.memory_space<hbm>>
      tpu.wait_indirect_dma semaphore(%arg11 : memref<!tpu.dma_semaphore, #tpu.memory_space<semaphore_mem>>) src(%dma_wait3A_83 : memref<80000x128xf32, #tpu.memory_space<hbm>>) dst(%dma_wait3A_77 : memref<125x128xf32, #tpu.memory_space<vmem>>)
      "tpu.region"() ({
        %run_scoped3A = tpu.sem_alloc : memref<!tpu.dma_semaphore, #tpu.memory_space<semaphore_mem>>
        %dma_start3A_109 = arith.constant 0 : i32
        %dma_start3A_110 = arith.constant 0 : i32
        %dma_start3A_111 = tpu.memref_slice %arg9[%scan3A, %dma_start3A_109, %dma_start3A_110] : memref<2x125x128xf32, #tpu.memory_space<vmem>> -> memref<1x125x128xf32, #tpu.memory_space<vmem>>
        %dma_start3A_112 = tpu.memref_squeeze %dma_start3A_111 : memref<1x125x128xf32, #tpu.memory_space<vmem>> -> memref<125x128xf32, #tpu.memory_space<vmem>>
        %dma_start3A_113 = arith.constant 0 : i32
        %dma_start3A_114 = tpu.memref_slice %arg8[%add3A_74, %dma_start3A_113] : memref<40x125xi32, #tpu.memory_space<vmem>> -> memref<1x125xi32, #tpu.memory_space<vmem>>
        %dma_start3A_115 = tpu.memref_squeeze %dma_start3A_114 : memref<1x125xi32, #tpu.memory_space<vmem>> -> memref<125xi32, #tpu.memory_space<vmem>>
        %dma_start3A_116 = arith.constant 0 : i32
        %dma_start3A_117 = arith.constant 0 : i32
        %dma_start3A_118 = tpu.memref_slice %arg10[%dma_start3A_116, %dma_start3A_117] : memref<10240x128xf32, #tpu.memory_space<vmem_shared>> -> memref<10240x128xf32, #tpu.memory_space<vmem_shared>>
        tpu.enqueue_indirect_dma source(%dma_start3A_112 : memref<125x128xf32, #tpu.memory_space<vmem>>) target(%dma_start3A_118 : memref<10240x128xf32, #tpu.memory_space<vmem_shared>>) offsets(%dma_start3A_115 : memref<125xi32, #tpu.memory_space<vmem>>) semaphore(%run_scoped3A : memref<!tpu.dma_semaphore, #tpu.memory_space<semaphore_mem>>) {add = true}
        %dma_wait3A_119 = arith.constant 0 : i32
        %dma_wait3A_120 = arith.constant 0 : i32
        %dma_wait3A_121 = tpu.memref_slice %arg9[%scan3A, %dma_wait3A_119, %dma_wait3A_120] : memref<2x125x128xf32, #tpu.memory_space<vmem>> -> memref<1x125x128xf32, #tpu.memory_space<vmem>>
        %dma_wait3A_122 = tpu.memref_squeeze %dma_wait3A_121 : memref<1x125x128xf32, #tpu.memory_space<vmem>> -> memref<125x128xf32, #tpu.memory_space<vmem>>
        %dma_wait3A_123 = arith.constant 0 : i32
        %dma_wait3A_124 = tpu.memref_slice %arg8[%add3A_74, %dma_wait3A_123] : memref<40x125xi32, #tpu.memory_space<vmem>> -> memref<1x125xi32, #tpu.memory_space<vmem>>
        %dma_wait3A_125 = tpu.memref_squeeze %dma_wait3A_124 : memref<1x125xi32, #tpu.memory_space<vmem>> -> memref<125xi32, #tpu.memory_space<vmem>>
        %dma_wait3A_126 = arith.constant 0 : i32
        %dma_wait3A_127 = arith.constant 0 : i32
        %dma_wait3A_128 = tpu.memref_slice %arg10[%dma_wait3A_126, %dma_wait3A_127] : memref<10240x128xf32, #tpu.memory_space<vmem_shared>> -> memref<10240x128xf32, #tpu.memory_space<vmem_shared>>
        tpu.wait_indirect_dma semaphore(%run_scoped3A : memref<!tpu.dma_semaphore, #tpu.memory_space<semaphore_mem>>) src(%dma_wait3A_122 : memref<125x128xf32, #tpu.memory_space<vmem>>) dst(%dma_wait3A_128 : memref<10240x128xf32, #tpu.memory_space<vmem_shared>>)
        tpu.yield
      }) : () -> ()
      %add3A_84 = arith.constant 2 : i32
      %add3A_85 = arith.addi %add3A_74, %add3A_84 : i32
      %lt3A = arith.constant 40 : i32
      %lt3A_86 = arith.cmpi slt, %add3A_85, %lt3A : i32
      %convert_element_type3A = arith.extui %lt3A_86 : i1 to i32
      %cond3A = arith.constant 0 : i32
      %cond3A_87 = arith.cmpi ne, %convert_element_type3A, %cond3A : i32
      scf.if %cond3A_87 {
        %add3A_109 = arith.constant 2 : i32
        %add3A_110 = arith.addi %add3A_74, %add3A_109 : i32
        %dma_start3A_111 = arith.constant 0 : i32
        %dma_start3A_112 = arith.constant 0 : i32
        %dma_start3A_113 = tpu.memref_slice %arg9[%scan3A, %dma_start3A_111, %dma_start3A_112] : memref<2x125x128xf32, #tpu.memory_space<vmem>> -> memref<1x125x128xf32, #tpu.memory_space<vmem>>
        %dma_start3A_114 = tpu.memref_squeeze %dma_start3A_113 : memref<1x125x128xf32, #tpu.memory_space<vmem>> -> memref<125x128xf32, #tpu.memory_space<vmem>>
        %dma_start3A_115 = arith.constant 0 : i32
        %dma_start3A_116 = tpu.memref_slice %arg7[%add3A_110, %dma_start3A_115] : memref<40x125xi32, #tpu.memory_space<vmem>> -> memref<1x125xi32, #tpu.memory_space<vmem>>
        %dma_start3A_117 = tpu.memref_squeeze %dma_start3A_116 : memref<1x125xi32, #tpu.memory_space<vmem>> -> memref<125xi32, #tpu.memory_space<vmem>>
        %dma_start3A_118 = arith.constant 0 : i32
        %dma_start3A_119 = arith.constant 0 : i32
        %dma_start3A_120 = tpu.memref_slice %arg2[%dma_start3A_118, %dma_start3A_119] : memref<80000x128xf32, #tpu.memory_space<hbm>> -> memref<80000x128xf32, #tpu.memory_space<hbm>>
        tpu.enqueue_indirect_dma source(%dma_start3A_120 : memref<80000x128xf32, #tpu.memory_space<hbm>>) target(%dma_start3A_114 : memref<125x128xf32, #tpu.memory_space<vmem>>) offsets(%dma_start3A_117 : memref<125xi32, #tpu.memory_space<vmem>>) semaphore(%arg11 : memref<!tpu.dma_semaphore, #tpu.memory_space<semaphore_mem>>)
      } else {
      }
      %add3A_88 = arith.constant 1 : i32
      %add3A_89 = arith.addi %add3A_74, %add3A_88 : i32
      %dma_wait3A_90 = arith.constant 0 : i32
      %dma_wait3A_91 = arith.constant 0 : i32
      %dma_wait3A_92 = tpu.memref_slice %arg9[%scan3A_28, %dma_wait3A_90, %dma_wait3A_91] : memref<2x125x128xf32, #tpu.memory_space<vmem>> -> memref<1x125x128xf32, #tpu.memory_space<vmem>>
      %dma_wait3A_93 = tpu.memref_squeeze %dma_wait3A_92 : memref<1x125x128xf32, #tpu.memory_space<vmem>> -> memref<125x128xf32, #tpu.memory_space<vmem>>
      %dma_wait3A_94 = arith.constant 0 : i32
      %dma_wait3A_95 = tpu.memref_slice %arg7[%add3A_89, %dma_wait3A_94] : memref<40x125xi32, #tpu.memory_space<vmem>> -> memref<1x125xi32, #tpu.memory_space<vmem>>
      %dma_wait3A_96 = tpu.memref_squeeze %dma_wait3A_95 : memref<1x125xi32, #tpu.memory_space<vmem>> -> memref<125xi32, #tpu.memory_space<vmem>>
      %dma_wait3A_97 = arith.constant 0 : i32
      %dma_wait3A_98 = arith.constant 0 : i32
      %dma_wait3A_99 = tpu.memref_slice %arg2[%dma_wait3A_97, %dma_wait3A_98] : memref<80000x128xf32, #tpu.memory_space<hbm>> -> memref<80000x128xf32, #tpu.memory_space<hbm>>
      tpu.wait_indirect_dma semaphore(%arg12 : memref<!tpu.dma_semaphore, #tpu.memory_space<semaphore_mem>>) src(%dma_wait3A_99 : memref<80000x128xf32, #tpu.memory_space<hbm>>) dst(%dma_wait3A_93 : memref<125x128xf32, #tpu.memory_space<vmem>>)
      %add3A_100 = arith.constant 1 : i32
      %add3A_101 = arith.addi %add3A_74, %add3A_100 : i32
      "tpu.region"() ({
        %run_scoped3A = tpu.sem_alloc : memref<!tpu.dma_semaphore, #tpu.memory_space<semaphore_mem>>
        %dma_start3A_109 = arith.constant 0 : i32
        %dma_start3A_110 = arith.constant 0 : i32
        %dma_start3A_111 = tpu.memref_slice %arg9[%scan3A_28, %dma_start3A_109, %dma_start3A_110] : memref<2x125x128xf32, #tpu.memory_space<vmem>> -> memref<1x125x128xf32, #tpu.memory_space<vmem>>
        %dma_start3A_112 = tpu.memref_squeeze %dma_start3A_111 : memref<1x125x128xf32, #tpu.memory_space<vmem>> -> memref<125x128xf32, #tpu.memory_space<vmem>>
        %dma_start3A_113 = arith.constant 0 : i32
        %dma_start3A_114 = tpu.memref_slice %arg8[%add3A_101, %dma_start3A_113] : memref<40x125xi32, #tpu.memory_space<vmem>> -> memref<1x125xi32, #tpu.memory_space<vmem>>
        %dma_start3A_115 = tpu.memref_squeeze %dma_start3A_114 : memref<1x125xi32, #tpu.memory_space<vmem>> -> memref<125xi32, #tpu.memory_space<vmem>>
        %dma_start3A_116 = arith.constant 0 : i32
        %dma_start3A_117 = arith.constant 0 : i32
        %dma_start3A_118 = tpu.memref_slice %arg10[%dma_start3A_116, %dma_start3A_117] : memref<10240x128xf32, #tpu.memory_space<vmem_shared>> -> memref<10240x128xf32, #tpu.memory_space<vmem_shared>>
        tpu.enqueue_indirect_dma source(%dma_start3A_112 : memref<125x128xf32, #tpu.memory_space<vmem>>) target(%dma_start3A_118 : memref<10240x128xf32, #tpu.memory_space<vmem_shared>>) offsets(%dma_start3A_115 : memref<125xi32, #tpu.memory_space<vmem>>) semaphore(%run_scoped3A : memref<!tpu.dma_semaphore, #tpu.memory_space<semaphore_mem>>) {add = true}
        %dma_wait3A_119 = arith.constant 0 : i32
        %dma_wait3A_120 = arith.constant 0 : i32
        %dma_wait3A_121 = tpu.memref_slice %arg9[%scan3A_28, %dma_wait3A_119, %dma_wait3A_120] : memref<2x125x128xf32, #tpu.memory_space<vmem>> -> memref<1x125x128xf32, #tpu.memory_space<vmem>>
        %dma_wait3A_122 = tpu.memref_squeeze %dma_wait3A_121 : memref<1x125x128xf32, #tpu.memory_space<vmem>> -> memref<125x128xf32, #tpu.memory_space<vmem>>
        %dma_wait3A_123 = arith.constant 0 : i32
        %dma_wait3A_124 = tpu.memref_slice %arg8[%add3A_101, %dma_wait3A_123] : memref<40x125xi32, #tpu.memory_space<vmem>> -> memref<1x125xi32, #tpu.memory_space<vmem>>
        %dma_wait3A_125 = tpu.memref_squeeze %dma_wait3A_124 : memref<1x125xi32, #tpu.memory_space<vmem>> -> memref<125xi32, #tpu.memory_space<vmem>>
        %dma_wait3A_126 = arith.constant 0 : i32
        %dma_wait3A_127 = arith.constant 0 : i32
        %dma_wait3A_128 = tpu.memref_slice %arg10[%dma_wait3A_126, %dma_wait3A_127] : memref<10240x128xf32, #tpu.memory_space<vmem_shared>> -> memref<10240x128xf32, #tpu.memory_space<vmem_shared>>
        tpu.wait_indirect_dma semaphore(%run_scoped3A : memref<!tpu.dma_semaphore, #tpu.memory_space<semaphore_mem>>) src(%dma_wait3A_122 : memref<125x128xf32, #tpu.memory_space<vmem>>) dst(%dma_wait3A_128 : memref<10240x128xf32, #tpu.memory_space<vmem_shared>>)
        tpu.yield
      }) : () -> ()
      %add3A_102 = arith.constant 3 : i32
      %add3A_103 = arith.addi %add3A_74, %add3A_102 : i32
      %lt3A_104 = arith.constant 40 : i32
      %lt3A_105 = arith.cmpi slt, %add3A_103, %lt3A_104 : i32
      %convert_element_type3A_106 = arith.extui %lt3A_105 : i1 to i32
      %cond3A_107 = arith.constant 0 : i32
      %cond3A_108 = arith.cmpi ne, %convert_element_type3A_106, %cond3A_107 : i32
      scf.if %cond3A_108 {
        %add3A_109 = arith.constant 3 : i32
        %add3A_110 = arith.addi %add3A_74, %add3A_109 : i32
        %dma_start3A_111 = arith.constant 0 : i32
        %dma_start3A_112 = arith.constant 0 : i32
        %dma_start3A_113 = tpu.memref_slice %arg9[%scan3A_28, %dma_start3A_111, %dma_start3A_112] : memref<2x125x128xf32, #tpu.memory_space<vmem>> -> memref<1x125x128xf32, #tpu.memory_space<vmem>>
        %dma_start3A_114 = tpu.memref_squeeze %dma_start3A_113 : memref<1x125x128xf32, #tpu.memory_space<vmem>> -> memref<125x128xf32, #tpu.memory_space<vmem>>
        %dma_start3A_115 = arith.constant 0 : i32
        %dma_start3A_116 = tpu.memref_slice %arg7[%add3A_110, %dma_start3A_115] : memref<40x125xi32, #tpu.memory_space<vmem>> -> memref<1x125xi32, #tpu.memory_space<vmem>>
        %dma_start3A_117 = tpu.memref_squeeze %dma_start3A_116 : memref<1x125xi32, #tpu.memory_space<vmem>> -> memref<125xi32, #tpu.memory_space<vmem>>
        %dma_start3A_118 = arith.constant 0 : i32
        %dma_start3A_119 = arith.constant 0 : i32
        %dma_start3A_120 = tpu.memref_slice %arg2[%dma_start3A_118, %dma_start3A_119] : memref<80000x128xf32, #tpu.memory_space<hbm>> -> memref<80000x128xf32, #tpu.memory_space<hbm>>
        tpu.enqueue_indirect_dma source(%dma_start3A_120 : memref<80000x128xf32, #tpu.memory_space<hbm>>) target(%dma_start3A_114 : memref<125x128xf32, #tpu.memory_space<vmem>>) offsets(%dma_start3A_117 : memref<125xi32, #tpu.memory_space<vmem>>) semaphore(%arg12 : memref<!tpu.dma_semaphore, #tpu.memory_space<semaphore_mem>>)
      } else {
      }
    }
    %scan3A_33 = arith.constant 20 : i32
    "tpu.region"() ({
      %run_scoped3A = tpu.sem_alloc : memref<!tpu.dma_semaphore, #tpu.memory_space<semaphore_mem>>
      %dma_start3A_70 = arith.constant 0 : i32
      %dma_start3A_71 = arith.constant 0 : i32
      %dma_start3A_72 = tpu.memref_slice %arg3[%add3A, %dma_start3A_70, %dma_start3A_71] : memref<32x80x125xi32, #tpu.memory_space<hbm>> -> memref<1x80x125xi32, #tpu.memory_space<hbm>>
      %dma_start3A_73 = tpu.memref_squeeze %dma_start3A_72 : memref<1x80x125xi32, #tpu.memory_space<hbm>> -> memref<80x125xi32, #tpu.memory_space<hbm>>
      %dma_start3A_74 = arith.constant 40 : i32
      %dma_start3A_75 = arith.constant 0 : i32
      %dma_start3A_76 = tpu.memref_slice %dma_start3A_73[%dma_start3A_74, %dma_start3A_75] : memref<80x125xi32, #tpu.memory_space<hbm>> -> memref<40x125xi32, #tpu.memory_space<hbm>>
      %dma_start3A_77 = arith.constant 0 : i32
      %dma_start3A_78 = arith.constant 0 : i32
      %dma_start3A_79 = tpu.memref_slice %arg3[%add3A, %dma_start3A_77, %dma_start3A_78] : memref<32x80x125xi32, #tpu.memory_space<hbm>> -> memref<1x80x125xi32, #tpu.memory_space<hbm>>
      %dma_start3A_80 = tpu.memref_squeeze %dma_start3A_79 : memref<1x80x125xi32, #tpu.memory_space<hbm>> -> memref<80x125xi32, #tpu.memory_space<hbm>>
      %dma_start3A_81 = arith.constant 40 : i32
      %dma_start3A_82 = arith.constant 0 : i32
      %dma_start3A_83 = tpu.memref_slice %dma_start3A_80[%dma_start3A_81, %dma_start3A_82] : memref<80x125xi32, #tpu.memory_space<hbm>> -> memref<40x125xi32, #tpu.memory_space<hbm>>
      tpu.enqueue_dma source(%dma_start3A_83 : memref<40x125xi32, #tpu.memory_space<hbm>>) target(%arg7 : memref<40x125xi32, #tpu.memory_space<vmem>>) target_semaphore(%run_scoped3A : memref<!tpu.dma_semaphore, #tpu.memory_space<semaphore_mem>>)
      %dma_wait3A = arith.constant 0 : i32
      %dma_wait3A_84 = arith.constant 0 : i32
      %dma_wait3A_85 = tpu.memref_slice %arg3[%add3A, %dma_wait3A, %dma_wait3A_84] : memref<32x80x125xi32, #tpu.memory_space<hbm>> -> memref<1x80x125xi32, #tpu.memory_space<hbm>>
      %dma_wait3A_86 = tpu.memref_squeeze %dma_wait3A_85 : memref<1x80x125xi32, #tpu.memory_space<hbm>> -> memref<80x125xi32, #tpu.memory_space<hbm>>
      %dma_wait3A_87 = arith.constant 40 : i32
      %dma_wait3A_88 = arith.constant 0 : i32
      %dma_wait3A_89 = tpu.memref_slice %dma_wait3A_86[%dma_wait3A_87, %dma_wait3A_88] : memref<80x125xi32, #tpu.memory_space<hbm>> -> memref<40x125xi32, #tpu.memory_space<hbm>>
      %dma_wait3A_90 = arith.constant 0 : i32
      %dma_wait3A_91 = arith.constant 0 : i32
      %dma_wait3A_92 = tpu.memref_slice %arg3[%add3A, %dma_wait3A_90, %dma_wait3A_91] : memref<32x80x125xi32, #tpu.memory_space<hbm>> -> memref<1x80x125xi32, #tpu.memory_space<hbm>>
      %dma_wait3A_93 = tpu.memref_squeeze %dma_wait3A_92 : memref<1x80x125xi32, #tpu.memory_space<hbm>> -> memref<80x125xi32, #tpu.memory_space<hbm>>
      %dma_wait3A_94 = arith.constant 40 : i32
      %dma_wait3A_95 = arith.constant 0 : i32
      %dma_wait3A_96 = tpu.memref_slice %dma_wait3A_93[%dma_wait3A_94, %dma_wait3A_95] : memref<80x125xi32, #tpu.memory_space<hbm>> -> memref<40x125xi32, #tpu.memory_space<hbm>>
      tpu.wait_dma2 semaphore(%run_scoped3A : memref<!tpu.dma_semaphore, #tpu.memory_space<semaphore_mem>>) src(%dma_wait3A_96 : memref<40x125xi32, #tpu.memory_space<hbm>>) dst(%arg7 : memref<40x125xi32, #tpu.memory_space<vmem>>)
      tpu.yield
    }) : () -> ()
    "tpu.region"() ({
      %run_scoped3A = tpu.sem_alloc : memref<!tpu.dma_semaphore, #tpu.memory_space<semaphore_mem>>
      %dma_start3A_70 = arith.constant 0 : i32
      %dma_start3A_71 = arith.constant 0 : i32
      %dma_start3A_72 = tpu.memref_slice %arg4[%add3A, %dma_start3A_70, %dma_start3A_71] : memref<32x80x125xi32, #tpu.memory_space<hbm>> -> memref<1x80x125xi32, #tpu.memory_space<hbm>>
      %dma_start3A_73 = tpu.memref_squeeze %dma_start3A_72 : memref<1x80x125xi32, #tpu.memory_space<hbm>> -> memref<80x125xi32, #tpu.memory_space<hbm>>
      %dma_start3A_74 = arith.constant 40 : i32
      %dma_start3A_75 = arith.constant 0 : i32
      %dma_start3A_76 = tpu.memref_slice %dma_start3A_73[%dma_start3A_74, %dma_start3A_75] : memref<80x125xi32, #tpu.memory_space<hbm>> -> memref<40x125xi32, #tpu.memory_space<hbm>>
      %dma_start3A_77 = arith.constant 0 : i32
      %dma_start3A_78 = arith.constant 0 : i32
      %dma_start3A_79 = tpu.memref_slice %arg4[%add3A, %dma_start3A_77, %dma_start3A_78] : memref<32x80x125xi32, #tpu.memory_space<hbm>> -> memref<1x80x125xi32, #tpu.memory_space<hbm>>
      %dma_start3A_80 = tpu.memref_squeeze %dma_start3A_79 : memref<1x80x125xi32, #tpu.memory_space<hbm>> -> memref<80x125xi32, #tpu.memory_space<hbm>>
      %dma_start3A_81 = arith.constant 40 : i32
      %dma_start3A_82 = arith.constant 0 : i32
      %dma_start3A_83 = tpu.memref_slice %dma_start3A_80[%dma_start3A_81, %dma_start3A_82] : memref<80x125xi32, #tpu.memory_space<hbm>> -> memref<40x125xi32, #tpu.memory_space<hbm>>
      tpu.enqueue_dma source(%dma_start3A_83 : memref<40x125xi32, #tpu.memory_space<hbm>>) target(%arg8 : memref<40x125xi32, #tpu.memory_space<vmem>>) target_semaphore(%run_scoped3A : memref<!tpu.dma_semaphore, #tpu.memory_space<semaphore_mem>>)
      %dma_wait3A = arith.constant 0 : i32
      %dma_wait3A_84 = arith.constant 0 : i32
      %dma_wait3A_85 = tpu.memref_slice %arg4[%add3A, %dma_wait3A, %dma_wait3A_84] : memref<32x80x125xi32, #tpu.memory_space<hbm>> -> memref<1x80x125xi32, #tpu.memory_space<hbm>>
      %dma_wait3A_86 = tpu.memref_squeeze %dma_wait3A_85 : memref<1x80x125xi32, #tpu.memory_space<hbm>> -> memref<80x125xi32, #tpu.memory_space<hbm>>
      %dma_wait3A_87 = arith.constant 40 : i32
      %dma_wait3A_88 = arith.constant 0 : i32
      %dma_wait3A_89 = tpu.memref_slice %dma_wait3A_86[%dma_wait3A_87, %dma_wait3A_88] : memref<80x125xi32, #tpu.memory_space<hbm>> -> memref<40x125xi32, #tpu.memory_space<hbm>>
      %dma_wait3A_90 = arith.constant 0 : i32
      %dma_wait3A_91 = arith.constant 0 : i32
      %dma_wait3A_92 = tpu.memref_slice %arg4[%add3A, %dma_wait3A_90, %dma_wait3A_91] : memref<32x80x125xi32, #tpu.memory_space<hbm>> -> memref<1x80x125xi32, #tpu.memory_space<hbm>>
      %dma_wait3A_93 = tpu.memref_squeeze %dma_wait3A_92 : memref<1x80x125xi32, #tpu.memory_space<hbm>> -> memref<80x125xi32, #tpu.memory_space<hbm>>
      %dma_wait3A_94 = arith.constant 40 : i32
      %dma_wait3A_95 = arith.constant 0 : i32
      %dma_wait3A_96 = tpu.memref_slice %dma_wait3A_93[%dma_wait3A_94, %dma_wait3A_95] : memref<80x125xi32, #tpu.memory_space<hbm>> -> memref<40x125xi32, #tpu.memory_space<hbm>>
      tpu.wait_dma2 semaphore(%run_scoped3A : memref<!tpu.dma_semaphore, #tpu.memory_space<semaphore_mem>>) src(%dma_wait3A_96 : memref<40x125xi32, #tpu.memory_space<hbm>>) dst(%arg8 : memref<40x125xi32, #tpu.memory_space<vmem>>)
      tpu.yield
    }) : () -> ()
    %dma_start3A_34 = arith.constant 0 : i32
    %dma_start3A_35 = arith.constant 0 : i32
    %dma_start3A_36 = arith.constant 0 : i32
    %dma_start3A_37 = arith.constant 0 : i32
    %dma_start3A_38 = tpu.memref_slice %arg9[%dma_start3A_35, %dma_start3A_36, %dma_start3A_37] : memref<2x125x128xf32, #tpu.memory_space<vmem>> -> memref<1x125x128xf32, #tpu.memory_space<vmem>>
    %dma_start3A_39 = tpu.memref_squeeze %dma_start3A_38 : memref<1x125x128xf32, #tpu.memory_space<vmem>> -> memref<125x128xf32, #tpu.memory_space<vmem>>
    %dma_start3A_40 = arith.constant 0 : i32
    %dma_start3A_41 = tpu.memref_slice %arg7[%dma_start3A_34, %dma_start3A_40] : memref<40x125xi32, #tpu.memory_space<vmem>> -> memref<1x125xi32, #tpu.memory_space<vmem>>
    %dma_start3A_42 = tpu.memref_squeeze %dma_start3A_41 : memref<1x125xi32, #tpu.memory_space<vmem>> -> memref<125xi32, #tpu.memory_space<vmem>>
    %dma_start3A_43 = arith.constant 0 : i32
    %dma_start3A_44 = arith.constant 0 : i32
    %dma_start3A_45 = tpu.memref_slice %arg2[%dma_start3A_43, %dma_start3A_44] : memref<80000x128xf32, #tpu.memory_space<hbm>> -> memref<80000x128xf32, #tpu.memory_space<hbm>>
    tpu.enqueue_indirect_dma source(%dma_start3A_45 : memref<80000x128xf32, #tpu.memory_space<hbm>>) target(%dma_start3A_39 : memref<125x128xf32, #tpu.memory_space<vmem>>) offsets(%dma_start3A_42 : memref<125xi32, #tpu.memory_space<vmem>>) semaphore(%arg11 : memref<!tpu.dma_semaphore, #tpu.memory_space<semaphore_mem>>)
    %dma_start3A_46 = arith.constant 1 : i32
    %dma_start3A_47 = arith.constant 1 : i32
    %dma_start3A_48 = arith.constant 0 : i32
    %dma_start3A_49 = arith.constant 0 : i32
    %dma_start3A_50 = tpu.memref_slice %arg9[%dma_start3A_47, %dma_start3A_48, %dma_start3A_49] : memref<2x125x128xf32, #tpu.memory_space<vmem>> -> memref<1x125x128xf32, #tpu.memory_space<vmem>>
    %dma_start3A_51 = tpu.memref_squeeze %dma_start3A_50 : memref<1x125x128xf32, #tpu.memory_space<vmem>> -> memref<125x128xf32, #tpu.memory_space<vmem>>
    %dma_start3A_52 = arith.constant 0 : i32
    %dma_start3A_53 = tpu.memref_slice %arg7[%dma_start3A_46, %dma_start3A_52] : memref<40x125xi32, #tpu.memory_space<vmem>> -> memref<1x125xi32, #tpu.memory_space<vmem>>
    %dma_start3A_54 = tpu.memref_squeeze %dma_start3A_53 : memref<1x125xi32, #tpu.memory_space<vmem>> -> memref<125xi32, #tpu.memory_space<vmem>>
    %dma_start3A_55 = arith.constant 0 : i32
    %dma_start3A_56 = arith.constant 0 : i32
    %dma_start3A_57 = tpu.memref_slice %arg2[%dma_start3A_55, %dma_start3A_56] : memref<80000x128xf32, #tpu.memory_space<hbm>> -> memref<80000x128xf32, #tpu.memory_space<hbm>>
    tpu.enqueue_indirect_dma source(%dma_start3A_57 : memref<80000x128xf32, #tpu.memory_space<hbm>>) target(%dma_start3A_51 : memref<125x128xf32, #tpu.memory_space<vmem>>) offsets(%dma_start3A_54 : memref<125xi32, #tpu.memory_space<vmem>>) semaphore(%arg12 : memref<!tpu.dma_semaphore, #tpu.memory_space<semaphore_mem>>)
    %scan3A_58 = arith.constant 0 : i32
    %scan3A_59 = arith.constant 1 : i32
    %scan3A_60 = arith.constant 0 : i32
    %scan3A_61 = arith.constant 20 : i32
    %scan3A_62 = arith.addi %scan3A_60, %scan3A_61 : i32
    %scan3A_63 = arith.constant 1 : i32
    scf.for %scan3A_70 = %scan3A_60 to %scan3A_62 step %scan3A_63  : i32 {
      %mul3A_71 = arith.constant 2 : i32
      %mul3A_72 = arith.muli %scan3A_70, %mul3A_71 : i32
      %add3A_73 = arith.constant 0 : i32
      %add3A_74 = arith.addi %add3A_73, %mul3A_72 : i32
      %dma_wait3A = arith.constant 0 : i32
      %dma_wait3A_75 = arith.constant 0 : i32
      %dma_wait3A_76 = tpu.memref_slice %arg9[%scan3A_58, %dma_wait3A, %dma_wait3A_75] : memref<2x125x128xf32, #tpu.memory_space<vmem>> -> memref<1x125x128xf32, #tpu.memory_space<vmem>>
      %dma_wait3A_77 = tpu.memref_squeeze %dma_wait3A_76 : memref<1x125x128xf32, #tpu.memory_space<vmem>> -> memref<125x128xf32, #tpu.memory_space<vmem>>
      %dma_wait3A_78 = arith.constant 0 : i32
      %dma_wait3A_79 = tpu.memref_slice %arg7[%add3A_74, %dma_wait3A_78] : memref<40x125xi32, #tpu.memory_space<vmem>> -> memref<1x125xi32, #tpu.memory_space<vmem>>
      %dma_wait3A_80 = tpu.memref_squeeze %dma_wait3A_79 : memref<1x125xi32, #tpu.memory_space<vmem>> -> memref<125xi32, #tpu.memory_space<vmem>>
      %dma_wait3A_81 = arith.constant 0 : i32
      %dma_wait3A_82 = arith.constant 0 : i32
      %dma_wait3A_83 = tpu.memref_slice %arg2[%dma_wait3A_81, %dma_wait3A_82] : memref<80000x128xf32, #tpu.memory_space<hbm>> -> memref<80000x128xf32, #tpu.memory_space<hbm>>
      tpu.wait_indirect_dma semaphore(%arg11 : memref<!tpu.dma_semaphore, #tpu.memory_space<semaphore_mem>>) src(%dma_wait3A_83 : memref<80000x128xf32, #tpu.memory_space<hbm>>) dst(%dma_wait3A_77 : memref<125x128xf32, #tpu.memory_space<vmem>>)
      "tpu.region"() ({
        %run_scoped3A = tpu.sem_alloc : memref<!tpu.dma_semaphore, #tpu.memory_space<semaphore_mem>>
        %dma_start3A_109 = arith.constant 0 : i32
        %dma_start3A_110 = arith.constant 0 : i32
        %dma_start3A_111 = tpu.memref_slice %arg9[%scan3A_58, %dma_start3A_109, %dma_start3A_110] : memref<2x125x128xf32, #tpu.memory_space<vmem>> -> memref<1x125x128xf32, #tpu.memory_space<vmem>>
        %dma_start3A_112 = tpu.memref_squeeze %dma_start3A_111 : memref<1x125x128xf32, #tpu.memory_space<vmem>> -> memref<125x128xf32, #tpu.memory_space<vmem>>
        %dma_start3A_113 = arith.constant 0 : i32
        %dma_start3A_114 = tpu.memref_slice %arg8[%add3A_74, %dma_start3A_113] : memref<40x125xi32, #tpu.memory_space<vmem>> -> memref<1x125xi32, #tpu.memory_space<vmem>>
        %dma_start3A_115 = tpu.memref_squeeze %dma_start3A_114 : memref<1x125xi32, #tpu.memory_space<vmem>> -> memref<125xi32, #tpu.memory_space<vmem>>
        %dma_start3A_116 = arith.constant 0 : i32
        %dma_start3A_117 = arith.constant 0 : i32
        %dma_start3A_118 = tpu.memref_slice %arg10[%dma_start3A_116, %dma_start3A_117] : memref<10240x128xf32, #tpu.memory_space<vmem_shared>> -> memref<10240x128xf32, #tpu.memory_space<vmem_shared>>
        tpu.enqueue_indirect_dma source(%dma_start3A_112 : memref<125x128xf32, #tpu.memory_space<vmem>>) target(%dma_start3A_118 : memref<10240x128xf32, #tpu.memory_space<vmem_shared>>) offsets(%dma_start3A_115 : memref<125xi32, #tpu.memory_space<vmem>>) semaphore(%run_scoped3A : memref<!tpu.dma_semaphore, #tpu.memory_space<semaphore_mem>>) {add = true}
        %dma_wait3A_119 = arith.constant 0 : i32
        %dma_wait3A_120 = arith.constant 0 : i32
        %dma_wait3A_121 = tpu.memref_slice %arg9[%scan3A_58, %dma_wait3A_119, %dma_wait3A_120] : memref<2x125x128xf32, #tpu.memory_space<vmem>> -> memref<1x125x128xf32, #tpu.memory_space<vmem>>
        %dma_wait3A_122 = tpu.memref_squeeze %dma_wait3A_121 : memref<1x125x128xf32, #tpu.memory_space<vmem>> -> memref<125x128xf32, #tpu.memory_space<vmem>>
        %dma_wait3A_123 = arith.constant 0 : i32
        %dma_wait3A_124 = tpu.memref_slice %arg8[%add3A_74, %dma_wait3A_123] : memref<40x125xi32, #tpu.memory_space<vmem>> -> memref<1x125xi32, #tpu.memory_space<vmem>>
        %dma_wait3A_125 = tpu.memref_squeeze %dma_wait3A_124 : memref<1x125xi32, #tpu.memory_space<vmem>> -> memref<125xi32, #tpu.memory_space<vmem>>
        %dma_wait3A_126 = arith.constant 0 : i32
        %dma_wait3A_127 = arith.constant 0 : i32
        %dma_wait3A_128 = tpu.memref_slice %arg10[%dma_wait3A_126, %dma_wait3A_127] : memref<10240x128xf32, #tpu.memory_space<vmem_shared>> -> memref<10240x128xf32, #tpu.memory_space<vmem_shared>>
        tpu.wait_indirect_dma semaphore(%run_scoped3A : memref<!tpu.dma_semaphore, #tpu.memory_space<semaphore_mem>>) src(%dma_wait3A_122 : memref<125x128xf32, #tpu.memory_space<vmem>>) dst(%dma_wait3A_128 : memref<10240x128xf32, #tpu.memory_space<vmem_shared>>)
        tpu.yield
      }) : () -> ()
      %add3A_84 = arith.constant 2 : i32
      %add3A_85 = arith.addi %add3A_74, %add3A_84 : i32
      %lt3A = arith.constant 40 : i32
      %lt3A_86 = arith.cmpi slt, %add3A_85, %lt3A : i32
      %convert_element_type3A = arith.extui %lt3A_86 : i1 to i32
      %cond3A = arith.constant 0 : i32
      %cond3A_87 = arith.cmpi ne, %convert_element_type3A, %cond3A : i32
      scf.if %cond3A_87 {
        %add3A_109 = arith.constant 2 : i32
        %add3A_110 = arith.addi %add3A_74, %add3A_109 : i32
        %dma_start3A_111 = arith.constant 0 : i32
        %dma_start3A_112 = arith.constant 0 : i32
        %dma_start3A_113 = tpu.memref_slice %arg9[%scan3A_58, %dma_start3A_111, %dma_start3A_112] : memref<2x125x128xf32, #tpu.memory_space<vmem>> -> memref<1x125x128xf32, #tpu.memory_space<vmem>>
        %dma_start3A_114 = tpu.memref_squeeze %dma_start3A_113 : memref<1x125x128xf32, #tpu.memory_space<vmem>> -> memref<125x128xf32, #tpu.memory_space<vmem>>
        %dma_start3A_115 = arith.constant 0 : i32
        %dma_start3A_116 = tpu.memref_slice %arg7[%add3A_110, %dma_start3A_115] : memref<40x125xi32, #tpu.memory_space<vmem>> -> memref<1x125xi32, #tpu.memory_space<vmem>>
        %dma_start3A_117 = tpu.memref_squeeze %dma_start3A_116 : memref<1x125xi32, #tpu.memory_space<vmem>> -> memref<125xi32, #tpu.memory_space<vmem>>
        %dma_start3A_118 = arith.constant 0 : i32
        %dma_start3A_119 = arith.constant 0 : i32
        %dma_start3A_120 = tpu.memref_slice %arg2[%dma_start3A_118, %dma_start3A_119] : memref<80000x128xf32, #tpu.memory_space<hbm>> -> memref<80000x128xf32, #tpu.memory_space<hbm>>
        tpu.enqueue_indirect_dma source(%dma_start3A_120 : memref<80000x128xf32, #tpu.memory_space<hbm>>) target(%dma_start3A_114 : memref<125x128xf32, #tpu.memory_space<vmem>>) offsets(%dma_start3A_117 : memref<125xi32, #tpu.memory_space<vmem>>) semaphore(%arg11 : memref<!tpu.dma_semaphore, #tpu.memory_space<semaphore_mem>>)
      } else {
      }
      %add3A_88 = arith.constant 1 : i32
      %add3A_89 = arith.addi %add3A_74, %add3A_88 : i32
      %dma_wait3A_90 = arith.constant 0 : i32
      %dma_wait3A_91 = arith.constant 0 : i32
      %dma_wait3A_92 = tpu.memref_slice %arg9[%scan3A_59, %dma_wait3A_90, %dma_wait3A_91] : memref<2x125x128xf32, #tpu.memory_space<vmem>> -> memref<1x125x128xf32, #tpu.memory_space<vmem>>
      %dma_wait3A_93 = tpu.memref_squeeze %dma_wait3A_92 : memref<1x125x128xf32, #tpu.memory_space<vmem>> -> memref<125x128xf32, #tpu.memory_space<vmem>>
      %dma_wait3A_94 = arith.constant 0 : i32
      %dma_wait3A_95 = tpu.memref_slice %arg7[%add3A_89, %dma_wait3A_94] : memref<40x125xi32, #tpu.memory_space<vmem>> -> memref<1x125xi32, #tpu.memory_space<vmem>>
      %dma_wait3A_96 = tpu.memref_squeeze %dma_wait3A_95 : memref<1x125xi32, #tpu.memory_space<vmem>> -> memref<125xi32, #tpu.memory_space<vmem>>
      %dma_wait3A_97 = arith.constant 0 : i32
      %dma_wait3A_98 = arith.constant 0 : i32
      %dma_wait3A_99 = tpu.memref_slice %arg2[%dma_wait3A_97, %dma_wait3A_98] : memref<80000x128xf32, #tpu.memory_space<hbm>> -> memref<80000x128xf32, #tpu.memory_space<hbm>>
      tpu.wait_indirect_dma semaphore(%arg12 : memref<!tpu.dma_semaphore, #tpu.memory_space<semaphore_mem>>) src(%dma_wait3A_99 : memref<80000x128xf32, #tpu.memory_space<hbm>>) dst(%dma_wait3A_93 : memref<125x128xf32, #tpu.memory_space<vmem>>)
      %add3A_100 = arith.constant 1 : i32
      %add3A_101 = arith.addi %add3A_74, %add3A_100 : i32
      "tpu.region"() ({
        %run_scoped3A = tpu.sem_alloc : memref<!tpu.dma_semaphore, #tpu.memory_space<semaphore_mem>>
        %dma_start3A_109 = arith.constant 0 : i32
        %dma_start3A_110 = arith.constant 0 : i32
        %dma_start3A_111 = tpu.memref_slice %arg9[%scan3A_59, %dma_start3A_109, %dma_start3A_110] : memref<2x125x128xf32, #tpu.memory_space<vmem>> -> memref<1x125x128xf32, #tpu.memory_space<vmem>>
        %dma_start3A_112 = tpu.memref_squeeze %dma_start3A_111 : memref<1x125x128xf32, #tpu.memory_space<vmem>> -> memref<125x128xf32, #tpu.memory_space<vmem>>
        %dma_start3A_113 = arith.constant 0 : i32
        %dma_start3A_114 = tpu.memref_slice %arg8[%add3A_101, %dma_start3A_113] : memref<40x125xi32, #tpu.memory_space<vmem>> -> memref<1x125xi32, #tpu.memory_space<vmem>>
        %dma_start3A_115 = tpu.memref_squeeze %dma_start3A_114 : memref<1x125xi32, #tpu.memory_space<vmem>> -> memref<125xi32, #tpu.memory_space<vmem>>
        %dma_start3A_116 = arith.constant 0 : i32
        %dma_start3A_117 = arith.constant 0 : i32
        %dma_start3A_118 = tpu.memref_slice %arg10[%dma_start3A_116, %dma_start3A_117] : memref<10240x128xf32, #tpu.memory_space<vmem_shared>> -> memref<10240x128xf32, #tpu.memory_space<vmem_shared>>
        tpu.enqueue_indirect_dma source(%dma_start3A_112 : memref<125x128xf32, #tpu.memory_space<vmem>>) target(%dma_start3A_118 : memref<10240x128xf32, #tpu.memory_space<vmem_shared>>) offsets(%dma_start3A_115 : memref<125xi32, #tpu.memory_space<vmem>>) semaphore(%run_scoped3A : memref<!tpu.dma_semaphore, #tpu.memory_space<semaphore_mem>>) {add = true}
        %dma_wait3A_119 = arith.constant 0 : i32
        %dma_wait3A_120 = arith.constant 0 : i32
        %dma_wait3A_121 = tpu.memref_slice %arg9[%scan3A_59, %dma_wait3A_119, %dma_wait3A_120] : memref<2x125x128xf32, #tpu.memory_space<vmem>> -> memref<1x125x128xf32, #tpu.memory_space<vmem>>
        %dma_wait3A_122 = tpu.memref_squeeze %dma_wait3A_121 : memref<1x125x128xf32, #tpu.memory_space<vmem>> -> memref<125x128xf32, #tpu.memory_space<vmem>>
        %dma_wait3A_123 = arith.constant 0 : i32
        %dma_wait3A_124 = tpu.memref_slice %arg8[%add3A_101, %dma_wait3A_123] : memref<40x125xi32, #tpu.memory_space<vmem>> -> memref<1x125xi32, #tpu.memory_space<vmem>>
        %dma_wait3A_125 = tpu.memref_squeeze %dma_wait3A_124 : memref<1x125xi32, #tpu.memory_space<vmem>> -> memref<125xi32, #tpu.memory_space<vmem>>
        %dma_wait3A_126 = arith.constant 0 : i32
        %dma_wait3A_127 = arith.constant 0 : i32
        %dma_wait3A_128 = tpu.memref_slice %arg10[%dma_wait3A_126, %dma_wait3A_127] : memref<10240x128xf32, #tpu.memory_space<vmem_shared>> -> memref<10240x128xf32, #tpu.memory_space<vmem_shared>>
        tpu.wait_indirect_dma semaphore(%run_scoped3A : memref<!tpu.dma_semaphore, #tpu.memory_space<semaphore_mem>>) src(%dma_wait3A_122 : memref<125x128xf32, #tpu.memory_space<vmem>>) dst(%dma_wait3A_128 : memref<10240x128xf32, #tpu.memory_space<vmem_shared>>)
        tpu.yield
      }) : () -> ()
      %add3A_102 = arith.constant 3 : i32
      %add3A_103 = arith.addi %add3A_74, %add3A_102 : i32
      %lt3A_104 = arith.constant 40 : i32
      %lt3A_105 = arith.cmpi slt, %add3A_103, %lt3A_104 : i32
      %convert_element_type3A_106 = arith.extui %lt3A_105 : i1 to i32
      %cond3A_107 = arith.constant 0 : i32
      %cond3A_108 = arith.cmpi ne, %convert_element_type3A_106, %cond3A_107 : i32
      scf.if %cond3A_108 {
        %add3A_109 = arith.constant 3 : i32
        %add3A_110 = arith.addi %add3A_74, %add3A_109 : i32
        %dma_start3A_111 = arith.constant 0 : i32
        %dma_start3A_112 = arith.constant 0 : i32
        %dma_start3A_113 = tpu.memref_slice %arg9[%scan3A_59, %dma_start3A_111, %dma_start3A_112] : memref<2x125x128xf32, #tpu.memory_space<vmem>> -> memref<1x125x128xf32, #tpu.memory_space<vmem>>
        %dma_start3A_114 = tpu.memref_squeeze %dma_start3A_113 : memref<1x125x128xf32, #tpu.memory_space<vmem>> -> memref<125x128xf32, #tpu.memory_space<vmem>>
        %dma_start3A_115 = arith.constant 0 : i32
        %dma_start3A_116 = tpu.memref_slice %arg7[%add3A_110, %dma_start3A_115] : memref<40x125xi32, #tpu.memory_space<vmem>> -> memref<1x125xi32, #tpu.memory_space<vmem>>
        %dma_start3A_117 = tpu.memref_squeeze %dma_start3A_116 : memref<1x125xi32, #tpu.memory_space<vmem>> -> memref<125xi32, #tpu.memory_space<vmem>>
        %dma_start3A_118 = arith.constant 0 : i32
        %dma_start3A_119 = arith.constant 0 : i32
        %dma_start3A_120 = tpu.memref_slice %arg2[%dma_start3A_118, %dma_start3A_119] : memref<80000x128xf32, #tpu.memory_space<hbm>> -> memref<80000x128xf32, #tpu.memory_space<hbm>>
        tpu.enqueue_indirect_dma source(%dma_start3A_120 : memref<80000x128xf32, #tpu.memory_space<hbm>>) target(%dma_start3A_114 : memref<125x128xf32, #tpu.memory_space<vmem>>) offsets(%dma_start3A_117 : memref<125xi32, #tpu.memory_space<vmem>>) semaphore(%arg12 : memref<!tpu.dma_semaphore, #tpu.memory_space<semaphore_mem>>)
      } else {
      }
    }
    %scan3A_64 = arith.constant 20 : i32
    %barrier3A_65 = arith.constant 0 : index
    tpu.barrier barrier_id(%barrier3A_65)
    %mul3A_66 = arith.constant 640 : i32
    %mul3A_67 = arith.muli %arg1, %mul3A_66 : i32
    %mul3A_68 = arith.constant 640 : i32
    %mul3A_69 = arith.muli %arg1, %mul3A_68 : i32
    "tpu.region"() ({
      %run_scoped3A = tpu.sem_alloc : memref<!tpu.dma_semaphore, #tpu.memory_space<semaphore_mem>>
      %dma_start3A_70 = arith.constant 0 : i32
      %dma_start3A_71 = tpu.memref_slice %arg6[%arg0, %mul3A_69, %dma_start3A_70] : memref<2x10240x128xf32, #tpu.memory_space<hbm>> -> memref<1x640x128xf32, #tpu.memory_space<hbm>>
      %dma_start3A_72 = tpu.memref_squeeze %dma_start3A_71 : memref<1x640x128xf32, #tpu.memory_space<hbm>> -> memref<640x128xf32, #tpu.memory_space<hbm>>
      %dma_start3A_73 = arith.constant 0 : i32
      %dma_start3A_74 = tpu.memref_slice %arg10[%mul3A_67, %dma_start3A_73] : memref<10240x128xf32, #tpu.memory_space<vmem_shared>> -> memref<640x128xf32, #tpu.memory_space<vmem_shared>>
      tpu.enqueue_dma source(%dma_start3A_74 : memref<640x128xf32, #tpu.memory_space<vmem_shared>>) target(%dma_start3A_72 : memref<640x128xf32, #tpu.memory_space<hbm>>) target_semaphore(%run_scoped3A : memref<!tpu.dma_semaphore, #tpu.memory_space<semaphore_mem>>)
      %dma_wait3A = arith.constant 0 : i32
      %dma_wait3A_75 = tpu.memref_slice %arg6[%arg0, %mul3A_69, %dma_wait3A] : memref<2x10240x128xf32, #tpu.memory_space<hbm>> -> memref<1x640x128xf32, #tpu.memory_space<hbm>>
      %dma_wait3A_76 = tpu.memref_squeeze %dma_wait3A_75 : memref<1x640x128xf32, #tpu.memory_space<hbm>> -> memref<640x128xf32, #tpu.memory_space<hbm>>
      %dma_wait3A_77 = arith.constant 0 : i32
      %dma_wait3A_78 = tpu.memref_slice %arg10[%mul3A_67, %dma_wait3A_77] : memref<10240x128xf32, #tpu.memory_space<vmem_shared>> -> memref<640x128xf32, #tpu.memory_space<vmem_shared>>
      tpu.wait_dma2 semaphore(%run_scoped3A : memref<!tpu.dma_semaphore, #tpu.memory_space<semaphore_mem>>) src(%dma_wait3A_78 : memref<640x128xf32, #tpu.memory_space<vmem_shared>>) dst(%dma_wait3A_76 : memref<640x128xf32, #tpu.memory_space<hbm>>)
      tpu.yield
    }) : () -> ()
    return
  }
}

module attributes {stable_mosaic.version = 14 : i64} {
  func.func @_flat_body(%arg0: memref<2500x128xi32, #tpu.memory_space<vmem>>, %arg1: memref<2500x128xi32, #tpu.memory_space<vmem>>, %arg2: memref<2500x128xi32, #tpu.memory_space<vmem>>) attributes {dimension_semantics = [], scalar_prefetch = 0 : i64, scratch_operands = 0 : i64, tpu.core_type = #tpu.core_type<tc>} {
    %get3A = arith.constant 0 : index
    %get3A_0 = arith.constant 0 : index
    %get3A_1 = vector.load %arg0[%get3A, %get3A_0] : memref<2500x128xi32, #tpu.memory_space<vmem>>, vector<2500x128xi32>
    %mul3A = arith.constant 8 : i32
    %mul3A_2 = vector.broadcast %mul3A : i32 to vector<2500x128xi32>
    %mul3A_3 = arith.muli %get3A_1, %mul3A_2 : vector<2500x128xi32>
    %get3A_4 = arith.constant 0 : index
    %get3A_5 = arith.constant 0 : index
    %get3A_6 = vector.load %arg1[%get3A_4, %get3A_5] : memref<2500x128xi32, #tpu.memory_space<vmem>>, vector<2500x128xi32>
    %add3A = arith.addi %mul3A_3, %get3A_6 : vector<2500x128xi32>
    %swap3A = arith.constant 0 : index
    %swap3A_7 = arith.constant 0 : index
    %swap3A_8 = vector.load %arg2[%swap3A, %swap3A_7] : memref<2500x128xi32, #tpu.memory_space<vmem>>, vector<2500x128xi32>
    tpu.vector_store %arg2[%swap3A, %swap3A_7], %add3A {strides = array<i32>} : memref<2500x128xi32, #tpu.memory_space<vmem>>, vector<2500x128xi32>,
    return
  }
}

module attributes {stable_mosaic.version = 14 : i64} {
  func.func @_l0_body(%arg0: i32, %arg1: memref<400x128xf32, #tpu.memory_space<vmem>>, %arg2: memref<8x128x128xf32, #tpu.memory_space<vmem>>, %arg3: memref<128x128xf32, #tpu.memory_space<vmem>>, %arg4: memref<400x8x128xf32, #tpu.memory_space<vmem>>, %arg5: memref<400x128xf32, #tpu.memory_space<vmem>>) attributes {dimension_semantics = [#tpu.dimension_semantics<arbitrary>], iteration_bounds = array<i64: 25>, scalar_prefetch = 0 : i64, scratch_operands = 0 : i64, tpu.core_type = #tpu.core_type<tc>, window_params = [{transform_indices = @transform_0, window_bounds = array<i64: 400, 128>}, {pipeline_mode = #tpu.pipeline_mode<synchronous>, transform_indices = @transform_1, window_bounds = array<i64: 8, 128, 128>}, {pipeline_mode = #tpu.pipeline_mode<synchronous>, transform_indices = @transform_2, window_bounds = array<i64: 128, 128>}, {transform_indices = @transform_3, window_bounds = array<i64: 400, 8, 128>}, {transform_indices = @transform_4, window_bounds = array<i64: 400, 128>}]} {
    %get3A = arith.constant 0 : index
    %get3A_0 = arith.constant 0 : index
    %get3A_1 = vector.load %arg1[%get3A, %get3A_0] : memref<400x128xf32, #tpu.memory_space<vmem>>, vector<400x128xf32>
    %get3A_2 = arith.constant 0 : index
    %get3A_3 = arith.constant 0 : index
    %get3A_4 = arith.constant 0 : index
    %get3A_5 = vector.load %arg2[%get3A_2, %get3A_3, %get3A_4] : memref<8x128x128xf32, #tpu.memory_space<vmem>>, vector<1x128x128xf32>
    %get3A_6 = vector.shape_cast %get3A_5 : vector<1x128x128xf32> to vector<128x128xf32>
    %dot_general3A = arith.constant dense<0.000000e+00> : vector<400x128xf32>
    %dot_general3A_7 = tpu.matmul %get3A_1, %get3A_6, %dot_general3A {dimension_numbers = #tpu.dot_dimension_numbers<[1], [0], [0], [1], [0, 0, 1, 1], [], []>, transpose_lhs_hint = false} : vector<400x128xf32>, vector<128x128xf32>, vector<400x128xf32> -> vector<400x128xf32>
    %swap3A = arith.constant 0 : index
    %swap3A_8 = arith.constant 0 : index
    %swap3A_9 = arith.constant 0 : index
    %swap3A_10 = vector.load %arg4[%swap3A, %swap3A_8, %swap3A_9] : memref<400x8x128xf32, #tpu.memory_space<vmem>>, vector<400x1x128xf32>
    %swap3A_11 = vector.shape_cast %swap3A_10 : vector<400x1x128xf32> to vector<400x128xf32>
    %swap3A_12 = vector.shape_cast %dot_general3A_7 : vector<400x128xf32> to vector<400x1x128xf32>
    tpu.vector_store %arg4[%swap3A, %swap3A_8, %swap3A_9], %swap3A_12 {strides = array<i32>} : memref<400x8x128xf32, #tpu.memory_space<vmem>>, vector<400x1x128xf32>,
    %get3A_13 = arith.constant 1 : index
    %get3A_14 = arith.constant 0 : index
    %get3A_15 = arith.constant 0 : index
    %get3A_16 = vector.load %arg2[%get3A_13, %get3A_14, %get3A_15] : memref<8x128x128xf32, #tpu.memory_space<vmem>>, vector<1x128x128xf32>
    %get3A_17 = vector.shape_cast %get3A_16 : vector<1x128x128xf32> to vector<128x128xf32>
    %dot_general3A_18 = arith.constant dense<0.000000e+00> : vector<400x128xf32>
    %dot_general3A_19 = tpu.matmul %get3A_1, %get3A_17, %dot_general3A_18 {dimension_numbers = #tpu.dot_dimension_numbers<[1], [0], [0], [1], [0, 0, 1, 1], [], []>, transpose_lhs_hint = false} : vector<400x128xf32>, vector<128x128xf32>, vector<400x128xf32> -> vector<400x128xf32>
    %swap3A_20 = arith.constant 0 : index
    %swap3A_21 = arith.constant 1 : index
    %swap3A_22 = arith.constant 0 : index
    %swap3A_23 = vector.load %arg4[%swap3A_20, %swap3A_21, %swap3A_22] : memref<400x8x128xf32, #tpu.memory_space<vmem>>, vector<400x1x128xf32>
    %swap3A_24 = vector.shape_cast %swap3A_23 : vector<400x1x128xf32> to vector<400x128xf32>
    %swap3A_25 = vector.shape_cast %dot_general3A_19 : vector<400x128xf32> to vector<400x1x128xf32>
    tpu.vector_store %arg4[%swap3A_20, %swap3A_21, %swap3A_22], %swap3A_25 {strides = array<i32>} : memref<400x8x128xf32, #tpu.memory_space<vmem>>, vector<400x1x128xf32>,
    %get3A_26 = arith.constant 2 : index
    %get3A_27 = arith.constant 0 : index
    %get3A_28 = arith.constant 0 : index
    %get3A_29 = vector.load %arg2[%get3A_26, %get3A_27, %get3A_28] : memref<8x128x128xf32, #tpu.memory_space<vmem>>, vector<1x128x128xf32>
    %get3A_30 = vector.shape_cast %get3A_29 : vector<1x128x128xf32> to vector<128x128xf32>
    %dot_general3A_31 = arith.constant dense<0.000000e+00> : vector<400x128xf32>
    %dot_general3A_32 = tpu.matmul %get3A_1, %get3A_30, %dot_general3A_31 {dimension_numbers = #tpu.dot_dimension_numbers<[1], [0], [0], [1], [0, 0, 1, 1], [], []>, transpose_lhs_hint = false} : vector<400x128xf32>, vector<128x128xf32>, vector<400x128xf32> -> vector<400x128xf32>
    %swap3A_33 = arith.constant 0 : index
    %swap3A_34 = arith.constant 2 : index
    %swap3A_35 = arith.constant 0 : index
    %swap3A_36 = vector.load %arg4[%swap3A_33, %swap3A_34, %swap3A_35] : memref<400x8x128xf32, #tpu.memory_space<vmem>>, vector<400x1x128xf32>
    %swap3A_37 = vector.shape_cast %swap3A_36 : vector<400x1x128xf32> to vector<400x128xf32>
    %swap3A_38 = vector.shape_cast %dot_general3A_32 : vector<400x128xf32> to vector<400x1x128xf32>
    tpu.vector_store %arg4[%swap3A_33, %swap3A_34, %swap3A_35], %swap3A_38 {strides = array<i32>} : memref<400x8x128xf32, #tpu.memory_space<vmem>>, vector<400x1x128xf32>,
    %get3A_39 = arith.constant 3 : index
    %get3A_40 = arith.constant 0 : index
    %get3A_41 = arith.constant 0 : index
    %get3A_42 = vector.load %arg2[%get3A_39, %get3A_40, %get3A_41] : memref<8x128x128xf32, #tpu.memory_space<vmem>>, vector<1x128x128xf32>
    %get3A_43 = vector.shape_cast %get3A_42 : vector<1x128x128xf32> to vector<128x128xf32>
    %dot_general3A_44 = arith.constant dense<0.000000e+00> : vector<400x128xf32>
    %dot_general3A_45 = tpu.matmul %get3A_1, %get3A_43, %dot_general3A_44 {dimension_numbers = #tpu.dot_dimension_numbers<[1], [0], [0], [1], [0, 0, 1, 1], [], []>, transpose_lhs_hint = false} : vector<400x128xf32>, vector<128x128xf32>, vector<400x128xf32> -> vector<400x128xf32>
    %swap3A_46 = arith.constant 0 : index
    %swap3A_47 = arith.constant 3 : index
    %swap3A_48 = arith.constant 0 : index
    %swap3A_49 = vector.load %arg4[%swap3A_46, %swap3A_47, %swap3A_48] : memref<400x8x128xf32, #tpu.memory_space<vmem>>, vector<400x1x128xf32>
    %swap3A_50 = vector.shape_cast %swap3A_49 : vector<400x1x128xf32> to vector<400x128xf32>
    %swap3A_51 = vector.shape_cast %dot_general3A_45 : vector<400x128xf32> to vector<400x1x128xf32>
    tpu.vector_store %arg4[%swap3A_46, %swap3A_47, %swap3A_48], %swap3A_51 {strides = array<i32>} : memref<400x8x128xf32, #tpu.memory_space<vmem>>, vector<400x1x128xf32>,
    %get3A_52 = arith.constant 4 : index
    %get3A_53 = arith.constant 0 : index
    %get3A_54 = arith.constant 0 : index
    %get3A_55 = vector.load %arg2[%get3A_52, %get3A_53, %get3A_54] : memref<8x128x128xf32, #tpu.memory_space<vmem>>, vector<1x128x128xf32>
    %get3A_56 = vector.shape_cast %get3A_55 : vector<1x128x128xf32> to vector<128x128xf32>
    %dot_general3A_57 = arith.constant dense<0.000000e+00> : vector<400x128xf32>
    %dot_general3A_58 = tpu.matmul %get3A_1, %get3A_56, %dot_general3A_57 {dimension_numbers = #tpu.dot_dimension_numbers<[1], [0], [0], [1], [0, 0, 1, 1], [], []>, transpose_lhs_hint = false} : vector<400x128xf32>, vector<128x128xf32>, vector<400x128xf32> -> vector<400x128xf32>
    %swap3A_59 = arith.constant 0 : index
    %swap3A_60 = arith.constant 4 : index
    %swap3A_61 = arith.constant 0 : index
    %swap3A_62 = vector.load %arg4[%swap3A_59, %swap3A_60, %swap3A_61] : memref<400x8x128xf32, #tpu.memory_space<vmem>>, vector<400x1x128xf32>
    %swap3A_63 = vector.shape_cast %swap3A_62 : vector<400x1x128xf32> to vector<400x128xf32>
    %swap3A_64 = vector.shape_cast %dot_general3A_58 : vector<400x128xf32> to vector<400x1x128xf32>
    tpu.vector_store %arg4[%swap3A_59, %swap3A_60, %swap3A_61], %swap3A_64 {strides = array<i32>} : memref<400x8x128xf32, #tpu.memory_space<vmem>>, vector<400x1x128xf32>,
    %get3A_65 = arith.constant 5 : index
    %get3A_66 = arith.constant 0 : index
    %get3A_67 = arith.constant 0 : index
    %get3A_68 = vector.load %arg2[%get3A_65, %get3A_66, %get3A_67] : memref<8x128x128xf32, #tpu.memory_space<vmem>>, vector<1x128x128xf32>
    %get3A_69 = vector.shape_cast %get3A_68 : vector<1x128x128xf32> to vector<128x128xf32>
    %dot_general3A_70 = arith.constant dense<0.000000e+00> : vector<400x128xf32>
    %dot_general3A_71 = tpu.matmul %get3A_1, %get3A_69, %dot_general3A_70 {dimension_numbers = #tpu.dot_dimension_numbers<[1], [0], [0], [1], [0, 0, 1, 1], [], []>, transpose_lhs_hint = false} : vector<400x128xf32>, vector<128x128xf32>, vector<400x128xf32> -> vector<400x128xf32>
    %swap3A_72 = arith.constant 0 : index
    %swap3A_73 = arith.constant 5 : index
    %swap3A_74 = arith.constant 0 : index
    %swap3A_75 = vector.load %arg4[%swap3A_72, %swap3A_73, %swap3A_74] : memref<400x8x128xf32, #tpu.memory_space<vmem>>, vector<400x1x128xf32>
    %swap3A_76 = vector.shape_cast %swap3A_75 : vector<400x1x128xf32> to vector<400x128xf32>
    %swap3A_77 = vector.shape_cast %dot_general3A_71 : vector<400x128xf32> to vector<400x1x128xf32>
    tpu.vector_store %arg4[%swap3A_72, %swap3A_73, %swap3A_74], %swap3A_77 {strides = array<i32>} : memref<400x8x128xf32, #tpu.memory_space<vmem>>, vector<400x1x128xf32>,
    %get3A_78 = arith.constant 6 : index
    %get3A_79 = arith.constant 0 : index
    %get3A_80 = arith.constant 0 : index
    %get3A_81 = vector.load %arg2[%get3A_78, %get3A_79, %get3A_80] : memref<8x128x128xf32, #tpu.memory_space<vmem>>, vector<1x128x128xf32>
    %get3A_82 = vector.shape_cast %get3A_81 : vector<1x128x128xf32> to vector<128x128xf32>
    %dot_general3A_83 = arith.constant dense<0.000000e+00> : vector<400x128xf32>
    %dot_general3A_84 = tpu.matmul %get3A_1, %get3A_82, %dot_general3A_83 {dimension_numbers = #tpu.dot_dimension_numbers<[1], [0], [0], [1], [0, 0, 1, 1], [], []>, transpose_lhs_hint = false} : vector<400x128xf32>, vector<128x128xf32>, vector<400x128xf32> -> vector<400x128xf32>
    %swap3A_85 = arith.constant 0 : index
    %swap3A_86 = arith.constant 6 : index
    %swap3A_87 = arith.constant 0 : index
    %swap3A_88 = vector.load %arg4[%swap3A_85, %swap3A_86, %swap3A_87] : memref<400x8x128xf32, #tpu.memory_space<vmem>>, vector<400x1x128xf32>
    %swap3A_89 = vector.shape_cast %swap3A_88 : vector<400x1x128xf32> to vector<400x128xf32>
    %swap3A_90 = vector.shape_cast %dot_general3A_84 : vector<400x128xf32> to vector<400x1x128xf32>
    tpu.vector_store %arg4[%swap3A_85, %swap3A_86, %swap3A_87], %swap3A_90 {strides = array<i32>} : memref<400x8x128xf32, #tpu.memory_space<vmem>>, vector<400x1x128xf32>,
    %get3A_91 = arith.constant 7 : index
    %get3A_92 = arith.constant 0 : index
    %get3A_93 = arith.constant 0 : index
    %get3A_94 = vector.load %arg2[%get3A_91, %get3A_92, %get3A_93] : memref<8x128x128xf32, #tpu.memory_space<vmem>>, vector<1x128x128xf32>
    %get3A_95 = vector.shape_cast %get3A_94 : vector<1x128x128xf32> to vector<128x128xf32>
    %dot_general3A_96 = arith.constant dense<0.000000e+00> : vector<400x128xf32>
    %dot_general3A_97 = tpu.matmul %get3A_1, %get3A_95, %dot_general3A_96 {dimension_numbers = #tpu.dot_dimension_numbers<[1], [0], [0], [1], [0, 0, 1, 1], [], []>, transpose_lhs_hint = false} : vector<400x128xf32>, vector<128x128xf32>, vector<400x128xf32> -> vector<400x128xf32>
    %swap3A_98 = arith.constant 0 : index
    %swap3A_99 = arith.constant 7 : index
    %swap3A_100 = arith.constant 0 : index
    %swap3A_101 = vector.load %arg4[%swap3A_98, %swap3A_99, %swap3A_100] : memref<400x8x128xf32, #tpu.memory_space<vmem>>, vector<400x1x128xf32>
    %swap3A_102 = vector.shape_cast %swap3A_101 : vector<400x1x128xf32> to vector<400x128xf32>
    %swap3A_103 = vector.shape_cast %dot_general3A_97 : vector<400x128xf32> to vector<400x1x128xf32>
    tpu.vector_store %arg4[%swap3A_98, %swap3A_99, %swap3A_100], %swap3A_103 {strides = array<i32>} : memref<400x8x128xf32, #tpu.memory_space<vmem>>, vector<400x1x128xf32>,
    %get3A_104 = arith.constant 0 : index
    %get3A_105 = arith.constant 0 : index
    %get3A_106 = vector.load %arg3[%get3A_104, %get3A_105] : memref<128x128xf32, #tpu.memory_space<vmem>>, vector<128x128xf32>
    %dot_general3A_107 = arith.constant dense<0.000000e+00> : vector<400x128xf32>
    %dot_general3A_108 = tpu.matmul %get3A_1, %get3A_106, %dot_general3A_107 {dimension_numbers = #tpu.dot_dimension_numbers<[1], [0], [0], [1], [0, 0, 1, 1], [], []>, transpose_lhs_hint = false} : vector<400x128xf32>, vector<128x128xf32>, vector<400x128xf32> -> vector<400x128xf32>
    %swap3A_109 = arith.constant 0 : index
    %swap3A_110 = arith.constant 0 : index
    %swap3A_111 = vector.load %arg5[%swap3A_109, %swap3A_110] : memref<400x128xf32, #tpu.memory_space<vmem>>, vector<400x128xf32>
    tpu.vector_store %arg5[%swap3A_109, %swap3A_110], %dot_general3A_108 {strides = array<i32>} : memref<400x128xf32, #tpu.memory_space<vmem>>, vector<400x128xf32>,
    return
  }
  func.func @transform_0(%arg0: i32) -> (i32, i32) {
    %c0_i32 = arith.constant 0 : i32
    %c0_i32_0 = arith.constant 0 : i32
    return %arg0, %c0_i32 : i32, i32
  }
  func.func @transform_1(%arg0: i32) -> (i32, i32, i32) {
    %c0_i32 = arith.constant 0 : i32
    %c0_i32_0 = arith.constant 0 : i32
    %c0_i32_1 = arith.constant 0 : i32
    %c0_i32_2 = arith.constant 0 : i32
    return %c0_i32, %c0_i32_0, %c0_i32_1 : i32, i32, i32
  }
  func.func @transform_2(%arg0: i32) -> (i32, i32) {
    %c0_i32 = arith.constant 0 : i32
    %c0_i32_0 = arith.constant 0 : i32
    %c0_i32_1 = arith.constant 0 : i32
    return %c0_i32, %c0_i32_0 : i32, i32
  }
  func.func @transform_3(%arg0: i32) -> (i32, i32, i32) {
    %c0_i32 = arith.constant 0 : i32
    %c0_i32_0 = arith.constant 0 : i32
    %c0_i32_1 = arith.constant 0 : i32
    return %arg0, %c0_i32, %c0_i32_0 : i32, i32, i32
  }
  func.func @transform_4(%arg0: i32) -> (i32, i32) {
    %c0_i32 = arith.constant 0 : i32
    %c0_i32_0 = arith.constant 0 : i32
    return %arg0, %c0_i32 : i32, i32
  }
}

module attributes {stable_mosaic.version = 14 : i64} {
  func.func @_mid_body(%arg0: i32, %arg1: memref<400x128xf32, #tpu.memory_space<vmem>>, %arg2: memref<400x128xf32, #tpu.memory_space<vmem>>, %arg3: memref<2x400x128xf32, #tpu.memory_space<vmem>>, %arg4: memref<1x128xf32, #tpu.memory_space<vmem>>, %arg5: memref<8x128x128xf32, #tpu.memory_space<vmem>>, %arg6: memref<128x128xf32, #tpu.memory_space<vmem>>, %arg7: memref<400x8x128xf32, #tpu.memory_space<vmem>>, %arg8: memref<400x128xf32, #tpu.memory_space<vmem>>) attributes {dimension_semantics = [#tpu.dimension_semantics<arbitrary>], iteration_bounds = array<i64: 25>, scalar_prefetch = 0 : i64, scratch_operands = 0 : i64, tpu.core_type = #tpu.core_type<tc>, window_params = [{transform_indices = @transform_0, window_bounds = array<i64: 400, 128>}, {transform_indices = @transform_1, window_bounds = array<i64: 400, 128>}, {transform_indices = @transform_2, window_bounds = array<i64: 2, 400, 128>}, {pipeline_mode = #tpu.pipeline_mode<synchronous>, transform_indices = @transform_3, window_bounds = array<i64: 1, 128>}, {pipeline_mode = #tpu.pipeline_mode<synchronous>, transform_indices = @transform_4, window_bounds = array<i64: 8, 128, 128>}, {pipeline_mode = #tpu.pipeline_mode<synchronous>, transform_indices = @transform_5, window_bounds = array<i64: 128, 128>}, {transform_indices = @transform_6, window_bounds = array<i64: 400, 8, 128>}, {transform_indices = @transform_7, window_bounds = array<i64: 400, 128>}]} {
    %get3A = arith.constant 0 : index
    %get3A_0 = arith.constant 0 : index
    %get3A_1 = vector.load %arg1[%get3A, %get3A_0] : memref<400x128xf32, #tpu.memory_space<vmem>>, vector<400x128xf32>
    %get3A_2 = arith.constant 0 : index
    %get3A_3 = arith.constant 0 : index
    %get3A_4 = vector.load %arg2[%get3A_2, %get3A_3] : memref<400x128xf32, #tpu.memory_space<vmem>>, vector<400x128xf32>
    %add3A = arith.addf %get3A_1, %get3A_4 : vector<400x128xf32>
    %get3A_5 = arith.constant 0 : index
    %get3A_6 = arith.constant 0 : index
    %get3A_7 = arith.constant 0 : index
    %get3A_8 = vector.load %arg3[%get3A_5, %get3A_6, %get3A_7] : memref<2x400x128xf32, #tpu.memory_space<vmem>>, vector<1x400x128xf32>
    %get3A_9 = vector.shape_cast %get3A_8 : vector<1x400x128xf32> to vector<400x128xf32>
    %add3A_10 = arith.addf %add3A, %get3A_9 : vector<400x128xf32>
    %get3A_11 = arith.constant 1 : index
    %get3A_12 = arith.constant 0 : index
    %get3A_13 = arith.constant 0 : index
    %get3A_14 = vector.load %arg3[%get3A_11, %get3A_12, %get3A_13] : memref<2x400x128xf32, #tpu.memory_space<vmem>>, vector<1x400x128xf32>
    %get3A_15 = vector.shape_cast %get3A_14 : vector<1x400x128xf32> to vector<400x128xf32>
    %add3A_16 = arith.addf %add3A_10, %get3A_15 : vector<400x128xf32>
    %max3A = arith.constant 0.000000e+00 : f32
    %max3A_17 = vector.broadcast %max3A : f32 to vector<400x128xf32>
    %max3A_18 = arith.maximumf %add3A_16, %max3A_17 : vector<400x128xf32>
    %get3A_19 = arith.constant 0 : index
    %get3A_20 = arith.constant 0 : index
    %get3A_21 = vector.load %arg4[%get3A_19, %get3A_20] : memref<1x128xf32, #tpu.memory_space<vmem>>, vector<1x128xf32>
    %add3A_22 = vector.broadcast %get3A_21 : vector<1x128xf32> to vector<400x128xf32>
    %add3A_23 = arith.addf %max3A_18, %add3A_22 : vector<400x128xf32>
    %get3A_24 = arith.constant 0 : index
    %get3A_25 = arith.constant 0 : index
    %get3A_26 = vector.load %arg6[%get3A_24, %get3A_25] : memref<128x128xf32, #tpu.memory_space<vmem>>, vector<128x128xf32>
    %dot_general3A = arith.constant dense<0.000000e+00> : vector<400x128xf32>
    %dot_general3A_27 = tpu.matmul %add3A_23, %get3A_26, %dot_general3A {dimension_numbers = #tpu.dot_dimension_numbers<[1], [0], [0], [1], [0, 0, 1, 1], [], []>, transpose_lhs_hint = false} : vector<400x128xf32>, vector<128x128xf32>, vector<400x128xf32> -> vector<400x128xf32>
    %swap3A = arith.constant 0 : index
    %swap3A_28 = arith.constant 0 : index
    %swap3A_29 = vector.load %arg8[%swap3A, %swap3A_28] : memref<400x128xf32, #tpu.memory_space<vmem>>, vector<400x128xf32>
    tpu.vector_store %arg8[%swap3A, %swap3A_28], %dot_general3A_27 {strides = array<i32>} : memref<400x128xf32, #tpu.memory_space<vmem>>, vector<400x128xf32>,
    %get3A_30 = arith.constant 0 : index
    %get3A_31 = arith.constant 0 : index
    %get3A_32 = arith.constant 0 : index
    %get3A_33 = vector.load %arg5[%get3A_30, %get3A_31, %get3A_32] : memref<8x128x128xf32, #tpu.memory_space<vmem>>, vector<1x128x128xf32>
    %get3A_34 = vector.shape_cast %get3A_33 : vector<1x128x128xf32> to vector<128x128xf32>
    %dot_general3A_35 = arith.constant dense<0.000000e+00> : vector<400x128xf32>
    %dot_general3A_36 = tpu.matmul %add3A_23, %get3A_34, %dot_general3A_35 {dimension_numbers = #tpu.dot_dimension_numbers<[1], [0], [0], [1], [0, 0, 1, 1], [], []>, transpose_lhs_hint = false} : vector<400x128xf32>, vector<128x128xf32>, vector<400x128xf32> -> vector<400x128xf32>
    %swap3A_37 = arith.constant 0 : index
    %swap3A_38 = arith.constant 0 : index
    %swap3A_39 = arith.constant 0 : index
    %swap3A_40 = vector.load %arg7[%swap3A_37, %swap3A_38, %swap3A_39] : memref<400x8x128xf32, #tpu.memory_space<vmem>>, vector<400x1x128xf32>
    %swap3A_41 = vector.shape_cast %swap3A_40 : vector<400x1x128xf32> to vector<400x128xf32>
    %swap3A_42 = vector.shape_cast %dot_general3A_36 : vector<400x128xf32> to vector<400x1x128xf32>
    tpu.vector_store %arg7[%swap3A_37, %swap3A_38, %swap3A_39], %swap3A_42 {strides = array<i32>} : memref<400x8x128xf32, #tpu.memory_space<vmem>>, vector<400x1x128xf32>,
    %get3A_43 = arith.constant 1 : index
    %get3A_44 = arith.constant 0 : index
    %get3A_45 = arith.constant 0 : index
    %get3A_46 = vector.load %arg5[%get3A_43, %get3A_44, %get3A_45] : memref<8x128x128xf32, #tpu.memory_space<vmem>>, vector<1x128x128xf32>
    %get3A_47 = vector.shape_cast %get3A_46 : vector<1x128x128xf32> to vector<128x128xf32>
    %dot_general3A_48 = arith.constant dense<0.000000e+00> : vector<400x128xf32>
    %dot_general3A_49 = tpu.matmul %add3A_23, %get3A_47, %dot_general3A_48 {dimension_numbers = #tpu.dot_dimension_numbers<[1], [0], [0], [1], [0, 0, 1, 1], [], []>, transpose_lhs_hint = false} : vector<400x128xf32>, vector<128x128xf32>, vector<400x128xf32> -> vector<400x128xf32>
    %swap3A_50 = arith.constant 0 : index
    %swap3A_51 = arith.constant 1 : index
    %swap3A_52 = arith.constant 0 : index
    %swap3A_53 = vector.load %arg7[%swap3A_50, %swap3A_51, %swap3A_52] : memref<400x8x128xf32, #tpu.memory_space<vmem>>, vector<400x1x128xf32>
    %swap3A_54 = vector.shape_cast %swap3A_53 : vector<400x1x128xf32> to vector<400x128xf32>
    %swap3A_55 = vector.shape_cast %dot_general3A_49 : vector<400x128xf32> to vector<400x1x128xf32>
    tpu.vector_store %arg7[%swap3A_50, %swap3A_51, %swap3A_52], %swap3A_55 {strides = array<i32>} : memref<400x8x128xf32, #tpu.memory_space<vmem>>, vector<400x1x128xf32>,
    %get3A_56 = arith.constant 2 : index
    %get3A_57 = arith.constant 0 : index
    %get3A_58 = arith.constant 0 : index
    %get3A_59 = vector.load %arg5[%get3A_56, %get3A_57, %get3A_58] : memref<8x128x128xf32, #tpu.memory_space<vmem>>, vector<1x128x128xf32>
    %get3A_60 = vector.shape_cast %get3A_59 : vector<1x128x128xf32> to vector<128x128xf32>
    %dot_general3A_61 = arith.constant dense<0.000000e+00> : vector<400x128xf32>
    %dot_general3A_62 = tpu.matmul %add3A_23, %get3A_60, %dot_general3A_61 {dimension_numbers = #tpu.dot_dimension_numbers<[1], [0], [0], [1], [0, 0, 1, 1], [], []>, transpose_lhs_hint = false} : vector<400x128xf32>, vector<128x128xf32>, vector<400x128xf32> -> vector<400x128xf32>
    %swap3A_63 = arith.constant 0 : index
    %swap3A_64 = arith.constant 2 : index
    %swap3A_65 = arith.constant 0 : index
    %swap3A_66 = vector.load %arg7[%swap3A_63, %swap3A_64, %swap3A_65] : memref<400x8x128xf32, #tpu.memory_space<vmem>>, vector<400x1x128xf32>
    %swap3A_67 = vector.shape_cast %swap3A_66 : vector<400x1x128xf32> to vector<400x128xf32>
    %swap3A_68 = vector.shape_cast %dot_general3A_62 : vector<400x128xf32> to vector<400x1x128xf32>
    tpu.vector_store %arg7[%swap3A_63, %swap3A_64, %swap3A_65], %swap3A_68 {strides = array<i32>} : memref<400x8x128xf32, #tpu.memory_space<vmem>>, vector<400x1x128xf32>,
    %get3A_69 = arith.constant 3 : index
    %get3A_70 = arith.constant 0 : index
    %get3A_71 = arith.constant 0 : index
    %get3A_72 = vector.load %arg5[%get3A_69, %get3A_70, %get3A_71] : memref<8x128x128xf32, #tpu.memory_space<vmem>>, vector<1x128x128xf32>
    %get3A_73 = vector.shape_cast %get3A_72 : vector<1x128x128xf32> to vector<128x128xf32>
    %dot_general3A_74 = arith.constant dense<0.000000e+00> : vector<400x128xf32>
    %dot_general3A_75 = tpu.matmul %add3A_23, %get3A_73, %dot_general3A_74 {dimension_numbers = #tpu.dot_dimension_numbers<[1], [0], [0], [1], [0, 0, 1, 1], [], []>, transpose_lhs_hint = false} : vector<400x128xf32>, vector<128x128xf32>, vector<400x128xf32> -> vector<400x128xf32>
    %swap3A_76 = arith.constant 0 : index
    %swap3A_77 = arith.constant 3 : index
    %swap3A_78 = arith.constant 0 : index
    %swap3A_79 = vector.load %arg7[%swap3A_76, %swap3A_77, %swap3A_78] : memref<400x8x128xf32, #tpu.memory_space<vmem>>, vector<400x1x128xf32>
    %swap3A_80 = vector.shape_cast %swap3A_79 : vector<400x1x128xf32> to vector<400x128xf32>
    %swap3A_81 = vector.shape_cast %dot_general3A_75 : vector<400x128xf32> to vector<400x1x128xf32>
    tpu.vector_store %arg7[%swap3A_76, %swap3A_77, %swap3A_78], %swap3A_81 {strides = array<i32>} : memref<400x8x128xf32, #tpu.memory_space<vmem>>, vector<400x1x128xf32>,
    %get3A_82 = arith.constant 4 : index
    %get3A_83 = arith.constant 0 : index
    %get3A_84 = arith.constant 0 : index
    %get3A_85 = vector.load %arg5[%get3A_82, %get3A_83, %get3A_84] : memref<8x128x128xf32, #tpu.memory_space<vmem>>, vector<1x128x128xf32>
    %get3A_86 = vector.shape_cast %get3A_85 : vector<1x128x128xf32> to vector<128x128xf32>
    %dot_general3A_87 = arith.constant dense<0.000000e+00> : vector<400x128xf32>
    %dot_general3A_88 = tpu.matmul %add3A_23, %get3A_86, %dot_general3A_87 {dimension_numbers = #tpu.dot_dimension_numbers<[1], [0], [0], [1], [0, 0, 1, 1], [], []>, transpose_lhs_hint = false} : vector<400x128xf32>, vector<128x128xf32>, vector<400x128xf32> -> vector<400x128xf32>
    %swap3A_89 = arith.constant 0 : index
    %swap3A_90 = arith.constant 4 : index
    %swap3A_91 = arith.constant 0 : index
    %swap3A_92 = vector.load %arg7[%swap3A_89, %swap3A_90, %swap3A_91] : memref<400x8x128xf32, #tpu.memory_space<vmem>>, vector<400x1x128xf32>
    %swap3A_93 = vector.shape_cast %swap3A_92 : vector<400x1x128xf32> to vector<400x128xf32>
    %swap3A_94 = vector.shape_cast %dot_general3A_88 : vector<400x128xf32> to vector<400x1x128xf32>
    tpu.vector_store %arg7[%swap3A_89, %swap3A_90, %swap3A_91], %swap3A_94 {strides = array<i32>} : memref<400x8x128xf32, #tpu.memory_space<vmem>>, vector<400x1x128xf32>,
    %get3A_95 = arith.constant 5 : index
    %get3A_96 = arith.constant 0 : index
    %get3A_97 = arith.constant 0 : index
    %get3A_98 = vector.load %arg5[%get3A_95, %get3A_96, %get3A_97] : memref<8x128x128xf32, #tpu.memory_space<vmem>>, vector<1x128x128xf32>
    %get3A_99 = vector.shape_cast %get3A_98 : vector<1x128x128xf32> to vector<128x128xf32>
    %dot_general3A_100 = arith.constant dense<0.000000e+00> : vector<400x128xf32>
    %dot_general3A_101 = tpu.matmul %add3A_23, %get3A_99, %dot_general3A_100 {dimension_numbers = #tpu.dot_dimension_numbers<[1], [0], [0], [1], [0, 0, 1, 1], [], []>, transpose_lhs_hint = false} : vector<400x128xf32>, vector<128x128xf32>, vector<400x128xf32> -> vector<400x128xf32>
    %swap3A_102 = arith.constant 0 : index
    %swap3A_103 = arith.constant 5 : index
    %swap3A_104 = arith.constant 0 : index
    %swap3A_105 = vector.load %arg7[%swap3A_102, %swap3A_103, %swap3A_104] : memref<400x8x128xf32, #tpu.memory_space<vmem>>, vector<400x1x128xf32>
    %swap3A_106 = vector.shape_cast %swap3A_105 : vector<400x1x128xf32> to vector<400x128xf32>
    %swap3A_107 = vector.shape_cast %dot_general3A_101 : vector<400x128xf32> to vector<400x1x128xf32>
    tpu.vector_store %arg7[%swap3A_102, %swap3A_103, %swap3A_104], %swap3A_107 {strides = array<i32>} : memref<400x8x128xf32, #tpu.memory_space<vmem>>, vector<400x1x128xf32>,
    %get3A_108 = arith.constant 6 : index
    %get3A_109 = arith.constant 0 : index
    %get3A_110 = arith.constant 0 : index
    %get3A_111 = vector.load %arg5[%get3A_108, %get3A_109, %get3A_110] : memref<8x128x128xf32, #tpu.memory_space<vmem>>, vector<1x128x128xf32>
    %get3A_112 = vector.shape_cast %get3A_111 : vector<1x128x128xf32> to vector<128x128xf32>
    %dot_general3A_113 = arith.constant dense<0.000000e+00> : vector<400x128xf32>
    %dot_general3A_114 = tpu.matmul %add3A_23, %get3A_112, %dot_general3A_113 {dimension_numbers = #tpu.dot_dimension_numbers<[1], [0], [0], [1], [0, 0, 1, 1], [], []>, transpose_lhs_hint = false} : vector<400x128xf32>, vector<128x128xf32>, vector<400x128xf32> -> vector<400x128xf32>
    %swap3A_115 = arith.constant 0 : index
    %swap3A_116 = arith.constant 6 : index
    %swap3A_117 = arith.constant 0 : index
    %swap3A_118 = vector.load %arg7[%swap3A_115, %swap3A_116, %swap3A_117] : memref<400x8x128xf32, #tpu.memory_space<vmem>>, vector<400x1x128xf32>
    %swap3A_119 = vector.shape_cast %swap3A_118 : vector<400x1x128xf32> to vector<400x128xf32>
    %swap3A_120 = vector.shape_cast %dot_general3A_114 : vector<400x128xf32> to vector<400x1x128xf32>
    tpu.vector_store %arg7[%swap3A_115, %swap3A_116, %swap3A_117], %swap3A_120 {strides = array<i32>} : memref<400x8x128xf32, #tpu.memory_space<vmem>>, vector<400x1x128xf32>,
    %get3A_121 = arith.constant 7 : index
    %get3A_122 = arith.constant 0 : index
    %get3A_123 = arith.constant 0 : index
    %get3A_124 = vector.load %arg5[%get3A_121, %get3A_122, %get3A_123] : memref<8x128x128xf32, #tpu.memory_space<vmem>>, vector<1x128x128xf32>
    %get3A_125 = vector.shape_cast %get3A_124 : vector<1x128x128xf32> to vector<128x128xf32>
    %dot_general3A_126 = arith.constant dense<0.000000e+00> : vector<400x128xf32>
    %dot_general3A_127 = tpu.matmul %add3A_23, %get3A_125, %dot_general3A_126 {dimension_numbers = #tpu.dot_dimension_numbers<[1], [0], [0], [1], [0, 0, 1, 1], [], []>, transpose_lhs_hint = false} : vector<400x128xf32>, vector<128x128xf32>, vector<400x128xf32> -> vector<400x128xf32>
    %swap3A_128 = arith.constant 0 : index
    %swap3A_129 = arith.constant 7 : index
    %swap3A_130 = arith.constant 0 : index
    %swap3A_131 = vector.load %arg7[%swap3A_128, %swap3A_129, %swap3A_130] : memref<400x8x128xf32, #tpu.memory_space<vmem>>, vector<400x1x128xf32>
    %swap3A_132 = vector.shape_cast %swap3A_131 : vector<400x1x128xf32> to vector<400x128xf32>
    %swap3A_133 = vector.shape_cast %dot_general3A_127 : vector<400x128xf32> to vector<400x1x128xf32>
    tpu.vector_store %arg7[%swap3A_128, %swap3A_129, %swap3A_130], %swap3A_133 {strides = array<i32>} : memref<400x8x128xf32, #tpu.memory_space<vmem>>, vector<400x1x128xf32>,
    return
  }
  func.func @transform_0(%arg0: i32) -> (i32, i32) {
    %c0_i32 = arith.constant 0 : i32
    %c0_i32_0 = arith.constant 0 : i32
    return %arg0, %c0_i32 : i32, i32
  }
  func.func @transform_1(%arg0: i32) -> (i32, i32) {
    %c0_i32 = arith.constant 0 : i32
    %c0_i32_0 = arith.constant 0 : i32
    return %arg0, %c0_i32 : i32, i32
  }
  func.func @transform_2(%arg0: i32) -> (i32, i32, i32) {
    %c0_i32 = arith.constant 0 : i32
    %c0_i32_0 = arith.constant 0 : i32
    %c0_i32_1 = arith.constant 0 : i32
    return %c0_i32, %arg0, %c0_i32_0 : i32, i32, i32
  }
  func.func @transform_3(%arg0: i32) -> (i32, i32) {
    %c0_i32 = arith.constant 0 : i32
    %c0_i32_0 = arith.constant 0 : i32
    %c0_i32_1 = arith.constant 0 : i32
    return %c0_i32, %c0_i32_0 : i32, i32
  }
  func.func @transform_4(%arg0: i32) -> (i32, i32, i32) {
    %c0_i32 = arith.constant 0 : i32
    %c0_i32_0 = arith.constant 0 : i32
    %c0_i32_1 = arith.constant 0 : i32
    %c0_i32_2 = arith.constant 0 : i32
    return %c0_i32, %c0_i32_0, %c0_i32_1 : i32, i32, i32
  }
  func.func @transform_5(%arg0: i32) -> (i32, i32) {
    %c0_i32 = arith.constant 0 : i32
    %c0_i32_0 = arith.constant 0 : i32
    %c0_i32_1 = arith.constant 0 : i32
    return %c0_i32, %c0_i32_0 : i32, i32
  }
  func.func @transform_6(%arg0: i32) -> (i32, i32, i32) {
    %c0_i32 = arith.constant 0 : i32
    %c0_i32_0 = arith.constant 0 : i32
    %c0_i32_1 = arith.constant 0 : i32
    return %arg0, %c0_i32, %c0_i32_0 : i32, i32, i32
  }
  func.func @transform_7(%arg0: i32) -> (i32, i32) {
    %c0_i32 = arith.constant 0 : i32
    %c0_i32_0 = arith.constant 0 : i32
    return %arg0, %c0_i32 : i32, i32
  }
}

module attributes {stable_mosaic.version = 14 : i64} {
  func.func @_fin_body(%arg0: i32, %arg1: memref<400x128xf32, #tpu.memory_space<vmem>>, %arg2: memref<2x400x128xf32, #tpu.memory_space<vmem>>, %arg3: memref<1x128xf32, #tpu.memory_space<vmem>>, %arg4: memref<400x128xf32, #tpu.memory_space<vmem>>) attributes {dimension_semantics = [#tpu.dimension_semantics<arbitrary>], iteration_bounds = array<i64: 25>, scalar_prefetch = 0 : i64, scratch_operands = 0 : i64, tpu.core_type = #tpu.core_type<tc>, window_params = [{transform_indices = @transform_0, window_bounds = array<i64: 400, 128>}, {transform_indices = @transform_1, window_bounds = array<i64: 2, 400, 128>}, {pipeline_mode = #tpu.pipeline_mode<synchronous>, transform_indices = @transform_2, window_bounds = array<i64: 1, 128>}, {transform_indices = @transform_3, window_bounds = array<i64: 400, 128>}]} {
    %get3A = arith.constant 0 : index
    %get3A_0 = arith.constant 0 : index
    %get3A_1 = vector.load %arg1[%get3A, %get3A_0] : memref<400x128xf32, #tpu.memory_space<vmem>>, vector<400x128xf32>
    %get3A_2 = arith.constant 0 : index
    %get3A_3 = arith.constant 0 : index
    %get3A_4 = arith.constant 0 : index
    %get3A_5 = vector.load %arg2[%get3A_2, %get3A_3, %get3A_4] : memref<2x400x128xf32, #tpu.memory_space<vmem>>, vector<1x400x128xf32>
    %get3A_6 = vector.shape_cast %get3A_5 : vector<1x400x128xf32> to vector<400x128xf32>
    %add3A = arith.addf %get3A_1, %get3A_6 : vector<400x128xf32>
    %get3A_7 = arith.constant 1 : index
    %get3A_8 = arith.constant 0 : index
    %get3A_9 = arith.constant 0 : index
    %get3A_10 = vector.load %arg2[%get3A_7, %get3A_8, %get3A_9] : memref<2x400x128xf32, #tpu.memory_space<vmem>>, vector<1x400x128xf32>
    %get3A_11 = vector.shape_cast %get3A_10 : vector<1x400x128xf32> to vector<400x128xf32>
    %add3A_12 = arith.addf %add3A, %get3A_11 : vector<400x128xf32>
    %get3A_13 = arith.constant 0 : index
    %get3A_14 = arith.constant 0 : index
    %get3A_15 = vector.load %arg3[%get3A_13, %get3A_14] : memref<1x128xf32, #tpu.memory_space<vmem>>, vector<1x128xf32>
    %add3A_16 = vector.broadcast %get3A_15 : vector<1x128xf32> to vector<400x128xf32>
    %add3A_17 = arith.addf %add3A_12, %add3A_16 : vector<400x128xf32>
    %swap3A = arith.constant 0 : index
    %swap3A_18 = arith.constant 0 : index
    %swap3A_19 = vector.load %arg4[%swap3A, %swap3A_18] : memref<400x128xf32, #tpu.memory_space<vmem>>, vector<400x128xf32>
    tpu.vector_store %arg4[%swap3A, %swap3A_18], %add3A_17 {strides = array<i32>} : memref<400x128xf32, #tpu.memory_space<vmem>>, vector<400x128xf32>,
    return
  }
  func.func @transform_0(%arg0: i32) -> (i32, i32) {
    %c0_i32 = arith.constant 0 : i32
    %c0_i32_0 = arith.constant 0 : i32
    return %arg0, %c0_i32 : i32, i32
  }
  func.func @transform_1(%arg0: i32) -> (i32, i32, i32) {
    %c0_i32 = arith.constant 0 : i32
    %c0_i32_0 = arith.constant 0 : i32
    %c0_i32_1 = arith.constant 0 : i32
    return %c0_i32, %arg0, %c0_i32_0 : i32, i32, i32
  }
  func.func @transform_2(%arg0: i32) -> (i32, i32) {
    %c0_i32 = arith.constant 0 : i32
    %c0_i32_0 = arith.constant 0 : i32
    %c0_i32_1 = arith.constant 0 : i32
    return %c0_i32, %c0_i32_0 : i32, i32
  }
  func.func @transform_3(%arg0: i32) -> (i32, i32) {
    %c0_i32 = arith.constant 0 : i32
    %c0_i32_0 = arith.constant 0 : i32
    return %arg0, %c0_i32 : i32, i32
  }
}

</mosaic_0001>

<sc_bundles>
// kernel: kernel.11.cloned.1.call-start
scs
__scs_entry_jumppad:
0x0: {  	(pc) =	sbr.rel $0x88, $3  }
0x1: {  	(tag) =	ssettag $0x0;
	lr =	simm.s32 $0x1  }
0x2: {  	[smem:$0x3F98] =	sst lr;
	_ =	strace $0xD0000000  }
0x3: {  	_ = 	snop  }
0x4: {  	_ = 	snop  }
0x5: {  	_ = 	snop  }
0x6: {  	_ = 	snop  }
0x7: {  	_ = 	snop  }
__scs_overlays_trampoline_lowered:
0x8: {  	[smem:$0x3FA7] =	sst s0  }
0x9: {  	[smem:$0x3FA8] =	sst s1  }
0xa: {  	[smem:$0x3FA9] =	sst s2  }
0xb: {  	[smem:$0x3FAA] =	sst s3  }
0xc: {  	[smem:$0x3FAB] =	sst s4  }
0xd: {  	[smem:$0x3FAC] =	sst s5  }
0xe: {  	[smem:$0x3FAD] =	sst s6  }
0xf: {  	[smem:$0x3FAE] =	sst s7  }
0x10: {  	[smem:$0x3FAF] =	sst s8  }
0x11: {  	[smem:$0x3FB0] =	sst s9;
	s0 =	simm.s32 @!p0 $0x0  }
0x12: {  	s1 =	sld [smem:$0x3F96];
	s0 =	simm.s32 @p0 $0x1  }
0x13: {  	[smem:$0x3FB1] =	sst s0;
	s0 =	simm.s32 @!p1 $0x0  }
0x14: {  	s2 =	sld [smem:$0x3F95];
	s0 =	simm.s32 @p1 $0x1  }
0x15: {  	[smem:$0x3FB2] =	sst s0;
	s0 =	simm.s32 @!p2 $0x0  }
0x16: {  	s3 =	sld [smem:$0x3FDB];
	s0 =	simm.s32 @p2 $0x1  }
0x17: {  	s4 =	simm.s32 $0x1BF5;
	[smem:$0x3FB4] =	sst s0  }
0x18: {  	s0 =	sld [smem:$0x3F97];
	_ =	swait.ge [sflag:s4], $0x0  }
0x19: {  	s7 =	sld [smem:$0x3F98]  }
0x1a: {  	s8 =	sadd.s32 $0xFFFFE003, lr  }
0x1b: {  	s9 =	sadd.s32 $0xFFFFFEF7, lr;
	s5 =	simm.s32 $0xFFFFFFFF;
	p2 =	slt.u32 s8, $0xFFFFF086  }
0x1c: {  	p1 =	slt.u32 s9, $0xF7A;
	s5 =	simm.s32 @!p2 $0x0  }
0x1d: {  	s5 =	simm.s32 @p1 $0x1;
	p0 =	seq.s32 s7, s2  }
0x1e: {  	s7 =	smul.u32 @!p0 $0xF7A, s2;
	p2 =	seq.s32 @!p0 s5, $0x0  }
0x1f: {  	s9 =	smul.u32 $0xF7A, s1;
	s8 =	simm.s32 @!p0 $0x1BF5;
	p2 =	por !p2, p0  }
0x20: {  	[sflag:s8] =	ssyncset.s32 @!p0 $0xFFFFF086;
	s6 =	sadd.s32 @!p0 s3, s7;
	s7 =	simm.s32 @!p0 $0x108  }
0x21: {  	s3 =	sadd.s32 s3, s9;
	s6 =	sadd.s32 @!p0 $0x88, s6;
	s7 =	simm.s32 @p2 $0x1082  }
0x22: {  	[simem:s7], [sflag:s8] =	dma.local @!p0 [hbm:s6], $0xF7A  }
0x23: {  	s9 =	sor.u32 $0xD0000000, s2;
	s6 =	simm.s32 $0x108;
	_ =	swait.ge @!p0 [sflag:s8], $0x0  }
0x24: {  	s3 =	sadd.s32 $0x88, s3;
	s6 =	simm.s32 @!p1 $0x1082;
	[sflag:s4] =	ssyncset.s32 $0xFFFFF086  }
0x25: {  	[simem:s6], [sflag:s4] =	dma.local [hbm:s3], $0xF7A  }
0x26: {  	[smem:$0x3F98] =	sst s1;
	(tag) =	ssettag s2;
	_ =	strace s9  }
0x27: {  	s1 =	sld [smem:$0x3FA8]  }
0x28: {  	s2 =	sld [smem:$0x3FA9]  }
0x29: {  	s4 =	sld [smem:$0x3FAB]  }
0x2a: {  	p0 =	seq.s32 s5, $0x0;
	s5 =	sld [smem:$0x3FAC]  }
0x2b: {  	s6 =	sld [smem:$0x3FAD]  }
0x2c: {  	s7 =	sld [smem:$0x3FAE]  }
0x2d: {  	s3 =	simm.s32 $0x108;
	s8 =	sld [smem:$0x3FAF]  }
0x2e: {  	s3 =	simm.s32 @!p0 $0x1082;
	s9 =	sld [smem:$0x3FB0]  }
0x2f: {  	lr =	sadd.s32 s0, s3;
	s0 =	sld [smem:$0x3FA7]  }
0x30: {  	s3 =	sld [smem:$0x3FAA]  }
0x31: {  	[smem:$0x3FB3] =	sst s10  }
0x32: {  	s10 =	sld [smem:$0x3FB1];
	_ =	sdelay $0x3  }
0x33: {  	p0 =	seq.s32 s10, $0x1;
	s10 =	sld [smem:$0x3FB3];
	_ =	sdelay $0x3  }
0x34: {  	[smem:$0x3FB3] =	sst s10  }
0x35: {  	s10 =	sld [smem:$0x3FB2];
	_ =	sdelay $0x3  }
0x36: {  	p1 =	seq.s32 s10, $0x1;
	s10 =	sld [smem:$0x3FB3];
	_ =	sdelay $0x3  }
0x37: {  	[smem:$0x3FB3] =	sst s10  }
0x38: {  	s10 =	sld [smem:$0x3FB4]  }
0x39: {  	_ = 	snop;
	(pc) =	sbr.ind lr, $3  }
0x3a: {  	_ = 	snop  }
0x3b: {  	_ = 	snop  }
0x3c: {  	p2 =	seq.s32 s10, $0x1;
	s10 =	sld [smem:$0x3FB3]  }
0x3d: {  	_ =	shalt  }
0x3e: {  	_ =	shalt  }
0x3f: {  	_ =	shalt  }
0x40: {  	_ =	shalt  }
0x41: {  	_ =	shalt  }
0x42: {  	_ =	shalt  }
0x43: {  	_ =	shalt  }
0x44: {  	_ =	shalt  }
0x45: {  	_ =	shalt  }
0x46: {  	_ =	shalt  }
0x47: {  	_ =	shalt  }
0x48: {  	_ =	shalt  }
0x49: {  	_ =	shalt  }
0x4a: {  	_ =	shalt  }
0x4b: {  	_ =	shalt  }
0x4c: {  	_ =	shalt  }
0x4d: {  	_ =	shalt  }
0x4e: {  	_ =	shalt  }
0x4f: {  	_ =	shalt  }
0x50: {  	_ =	shalt  }
0x51: {  	_ =	shalt  }
0x52: {  	_ =	shalt  }
0x53: {  	_ =	shalt  }
0x54: {  	_ =	shalt  }
0x55: {  	_ =	shalt  }
0x56: {  	_ =	shalt  }
0x57: {  	_ =	shalt  }
0x58: {  	_ =	shalt  }
0x59: {  	_ =	shalt  }
0x5a: {  	_ =	shalt  }
0x5b: {  	_ =	shalt  }
0x5c: {  	_ =	shalt  }
0x5d: {  	_ =	shalt  }
0x5e: {  	_ =	shalt  }
0x5f: {  	_ =	shalt  }
0x60: {  	_ =	shalt  }
0x61: {  	_ =	shalt  }
0x62: {  	_ =	shalt  }
0x63: {  	_ =	shalt  }
0x64: {  	_ =	shalt  }
0x65: {  	_ =	shalt  }
0x66: {  	_ =	shalt  }
0x67: {  	_ =	shalt  }
0x68: {  	_ =	shalt  }
0x69: {  	_ =	shalt  }
0x6a: {  	_ =	shalt  }
0x6b: {  	_ =	shalt  }
0x6c: {  	_ =	shalt  }
0x6d: {  	_ =	shalt  }
0x6e: {  	_ =	shalt  }
0x6f: {  	_ =	shalt  }
0x70: {  	_ =	shalt  }
0x71: {  	_ =	shalt  }
0x72: {  	_ =	shalt  }
0x73: {  	_ =	shalt  }
0x74: {  	_ =	shalt  }
0x75: {  	_ =	shalt  }
0x76: {  	_ =	shalt  }
0x77: {  	_ =	shalt  }
0x78: {  	_ =	shalt  }
0x79: {  	_ =	shalt  }
0x7a: {  	_ =	shalt  }
0x7b: {  	_ =	shalt  }
0x7c: {  	_ =	shalt  }
0x7d: {  	_ =	shalt  }
0x7e: {  	_ =	shalt  }
0x7f: {  	_ =	shalt  }
0x80: {  	_ =	shalt  }
0x81: {  	_ =	shalt  }
0x82: {  	_ =	shalt  }
0x83: {  	_ =	shalt  }
0x84: {  	_ =	shalt  }
0x85: {  	_ =	shalt  }
0x86: {  	_ =	shalt  }
0x87: {  	_ =	shalt  }
.Lfunc_end0:
.L_simem_size_0:
called_computation.1_lowered:
.L_overlay_start_0:
0x88: {  	s2 =	sld [smem:$0x3FD9]  }
0x89: {  	s3 =	sld [smem:$0x3FFE];
	_ =	sdelay $0x1  }
0x8a: {  	s1 =	srdreg.scid  }
0x8b: {  	s0 =	sand.u32 $0x1, s1  }
0x8c: {  	s17 =	sshll.u32 s0, $0xA;
	s2 =	sadd.s32 s3, s2  }
0x8d: {  	s2 =	sadd.s32 s2, s17  }
0x8e: {  	[smem:$0x3FBF] =	sst s2  }
0x8f: {  	_ = 	snop  }
0x90: {  	s2 =	sld [smem:$0x3FD0];
	(tm) =	ssettm $0x1  }
0x91: {  	s18 =	sld [smem:$0x3FFB];
	_ =	sdelay $0x3  }
0x92: {  	_ =	strace s18  }
0x93: {  	s3 =	sld [smem:$0x3FFC];
	_ =	sdelay $0x3  }
0x94: {  	_ =	strace s3  }
0x95: {  	s3 =	sld [smem:$0x3FFD];
	_ =	sdelay $0x3  }
0x96: {  	_ =	strace s3  }
0x97: {  	_ =	strace $0x8FFFFFFF  }
0x98: {  	s19 =	sld [smem:$0x3FDB];
	_ =	sdelay $0x1  }
0x99: {  	s4 =	simm.s32 $_scs_section_size  }
0x9a: {  	s5 =	simm.s32 $_size__tile_overlayer_lowered;
	s6 =	simm.s32 $_tile_overlayer_lowered  }
0x9b: {  	s22 =	simm.s32 $0x1BFF;
	s21 =	sshll.u32 s6, $0x1;
	s3 =	sadd.s32 s4, s19  }
0x9c: {  	s7 =	simm.s32 $0x0;
	s20 =	sshll.u32 s5, $0x1;
	s5 =	sadd.s32 s21, s3  }
0x9d: {  	[timem:s7], [sflag:s22] =	dma.local [hbm:s5], s20  }
0x9e: {  	_ =	swait.ge [sflag:s22], s20  }
0x9f: {  	s4 =	ssub.s32 $0x0, s20;
	[sflag:s22] =	ssyncset.done $0x0  }
0xa0: {  	[sflag:s22] =	ssyncadd.s32 s4;
	_ =	sdelay $0x1  }
0xa1: {  	s23 =	simm.s32 $0x1B8B  }
0xa2: {  	_ =	swait.ge [sflag:s23], $0x1  }
0xa3: {  	[sflag:s23] =	ssyncset.done $0x0  }
0xa4: {  	s25 =	simm.s32 $0x1B8E;
	s24 =	sld [smem:$0x3FFE];
	[sflag:s23] =	ssyncadd.s32 $0xFFFFFFFF  }
0xa5: {  	s26 =	simm.s32 $execute0_lowered;
	[smem:$0x3FD2] =	sst s25  }
0xa6: {  	s5 =	sshll.u32 s26, $0x1;
	_ =	strace $0x80000049;
	[dreg:$0x1] =	wrdreg $0xFFFFFFFF  }
0xa7: {  	s28 =	simm.s32 $_size_execute0_lowered;
	s3 =	sadd.s32 s3, s5;
	[dreg:$0x0] =	wrdreg $0x0  }
0xa8: {  	s5 =	sshll.u32 s28, $0x1;
	[dreg:$0x2] =	wrdreg s3  }
0xa9: {  	[dreg:$0x3] =	wrdreg s5  }
0xaa: {  	[dreg:$0x4] =	wrdreg $0xC0  }
0xab: {  	_ =	task [dreg:s7], $0x5FFFF  }
0xac: {  	[dreg:$0x1] =	wrdreg $0xFFFFFFFF  }
0xad: {  	[dreg:$0x0] =	wrdreg $0x60  }
0xae: {  	[dreg:$0x2] =	wrdreg s24  }
0xaf: {  	[dreg:$0x3] =	wrdreg s2  }
0xb0: {  	[dreg:$0x4] =	wrdreg $0xA8000  }
0xb1: {  	[dreg:$0x5] =	wrdreg $0x9  }
0xb2: {  	_ =	task.clear_ibuf [dreg:s7], $0x6FFFF;
	_ =	strace $0x90000049  }
0xb3: {  	s29 =	simm.s32 $0x9;
	_ =	strace $0x8000004B  }
0xb4: {  	_ =	swait.ge [sflag:s29], $0x1  }
0xb5: {  	[sflag:s29] =	ssyncadd.s32 $0xFFFFFFFF  }
0xb6: {  	_ =	strace $0x9000004B  }
0xb7: {  	_ =	sfence  }
0xb8: {  	s30 =	sld [smem:$0x0];
	_ =	sdelay $0x2  }
0xb9: {  	s31 =	sshll.u32 s1, $0xD;
	s1 =	sshrl.u32 s1, $0x2  }
0xba: {  	s3 =	sand.u32 $0x4000, s31;
	s1 =	sadd.s32 s1, s30  }
0xbb: {  	s0 =	sor.u32 s3, s0;
	s1 =	sshll.u32 s1, $0x11  }
0xbc: {  	s0 =	sor.u32 s1, s0  }
0xbd: {  	s0 =	sadd.s32 $0x8F2B, s0  }
0xbe: {  	[sflag:s0] =	ssyncadd.remote.s32 $0x1  }
0xbf: {  	_ =	sfence.sel $0xFFFF  }
0xc0: {  	[dreg:$0x0] =	wrdreg $0xFFFFFFFF;
	(pc) =	sbr.abs _section_cstart, $3  }
0xc1: {  	[dreg:$0x1] =	wrdreg $0xFFFFFFFF  }
0xc2: {  	_ =	task.clear_ibuf [dreg:s7], $0x2FFFF;
	_ =	strace $0x9FFFFFFF  }
0xc3: {  	(tm) =	ssettm $0x7FFFFFFF  }
tec
execute0_lowered:
.L_overlay_start_1:
0x0: {  	(tag) =	ssettag $0x1  }
0x1: {  	s1 =	srdreg.scid;
	s5 =	rddreg [dreg:$0x0]  }
0x2: {  	s0 =	stileid.u32;
	s7 =	rddreg [dreg:$0x1]  }
0x3: {  	s2 =	rddreg [dreg:$0x2];
	s3 =	simm.s32 $0x0;
	s15 =	simm.s32 $0x2800  }
0x4: {  	s16 =	simm.s32 $0x80;
	s17 =	simm.s32 $0x6800;
	s18 =	simm.s32 $0x1  }
0x5: {  	s19 =	simm.s32 $0x2;
	s20 =	simm.s32 $0x2700;
	s21 =	simm.s32 $0x2780  }
0x6: {  	s24 =	simm.s32 $0x0;
	s6 =	sand.u32 $0x1, s1;
	s9 =	smul.u32 $0x14000, s0  }
0x7: {  	s26 =	sshll.u32 s0, $0x1;
	[smem:$0x7FF] =	sst s3;
	s28 =	smul.u32 $0x50000, s0  }
0x8: {  	s4 =	sadd.s32 $0xBC00, s5;
	s1 =	sor.u32 s6, s26;
	s10 =	smul.u32 $0x140000, s6  }
0x9: {  	s31 =	sshll.u32 s0, $0x6;
	s6 =	ssub.s32 $0x2, s6;
	s8 =	smul.u32 $0x500, s1  }
0xa: {  	s1 =	rddreg [dreg:$0x3];
	_ =	strace $0x8000004A;
	s12 =	sshrl.u32 s9, $0x3  }
0xb: {  	s29 =	sshrl.u32 s6, $0x1;
	s30 =	sshrl.u32 s28, $0x2;
	s9 =	sadd.s32 s9, s10  }
0xc: {  	s12 =	sadd.s32 s12, s5;
	s13 =	ssub.s32 s6, s29;
	s14 =	sadd.s32 s30, s2  }
0xd: {  	s6 =	sor.u32 $0x1C03, s31;
	s11 =	sadd.s32 s8, s5;
	s9 =	sshrl.u32 s9, $0x3  }
0xe: {  	s7 =	sadd.s32 s7, s8;
	s10 =	smax.u32 s13, $0x1;
	s13 =	simm.s32 $0x1400  }
0xf: {  	s9 =	sadd.s32 s9, s5;
	s5 =	sadd.s32 $0x144400, s12;
	s8 =	sadd.s32 $0x1C00, s11  }
0x10: {  	s11 =	sshrl.u32 s14, $0x3;
	s12 =	simm.s32 $0x3;
	s14 =	simm.s32 $0x7D  }
0x11: {  	s22 =	sadd.s32 $0x280, s7;
	s9 =	sadd.s32 $0x16C400, s9;
	s23 =	sadd.s32 $0x280, s8  }
.LBB2_1:
0x12: {  	[spmem:s11], [sflag:s6] =	dma.local [hbm:s5], $0x2800  }
0x13: {  	_ =	swait.ge [sflag:s12], $0x2800  }
0x14: {  	[sflag:s12] =	ssyncset.done $0x0  }
0x15: {  	[sflag:s12] =	ssyncadd.s32 $0xFFFFD800  }
0x16: {  	[bflag:$0x0] =	sbarrier.arrive $0xFFFF  }
0x17: {  	[tilespmem:s3], [sflag:$0x3] =	stream.linear.gather [hbm4b:s7+s3], $0x1400, $0x38;
	[tilespmem:$0x1E800] =	vst v63  }
0x18: {  	_ =	swait.ge [sflag:s12], $0x1400  }
0x19: {  	[sflag:s12] =	ssyncset.done $0x0  }
0x1a: {  	[sflag:s12] =	ssyncadd.s32 $0xFFFFEC00  }
0x1b: {  	[tilespmem:s13], [sflag:$0x3] =	stream.linear.gather [hbm4b:s8+s3], $0x1400, $0x38;
	[tilespmem:$0x1E800] =	vst v63  }
0x1c: {  	_ =	swait.ge [sflag:s12], $0x1400  }
0x1d: {  	[sflag:s12] =	ssyncset.done $0x0  }
0x1e: {  	[sflag:s12] =	ssyncadd.s32 $0xFFFFEC00  }
0x1f: {  	[tilespmem:s15], [sflag:$0x1] =	stream.indirect.gather [hbm4b:s4+s14], $0x80, s3, s14, $0xb8;
	[tilespmem:$0x1E800] =	vst v63  }
0x20: {  	_ = 	snop  }
0x21: {  	[tilespmem:s17], [sflag:$0x2] =	stream.indirect.gather [hbm4b:s4+s14], $0x80, s16, s14, $0xb8;
	[tilespmem:$0x1E800] =	vst v63  }
0x22: {  	_ =	swait.ge [sflag:s18], $0x3E80  }
0x23: {  	[sflag:s18] =	ssyncset.done $0x0  }
0x24: {  	s25 =	simm.s32 $0x1400;
	[sflag:s18] =	ssyncadd.s32 $0xFFFFC180  }
0x25: {  	[spmem:s2] =	stream.indirect.scatter.add.f32 [tilespmem:s15], [sflag:$0x3], $0x80, s25, s14, $0xb8;
	[tilespmem:$0x1E800] =	vst v63  }
0x26: {  	_ =	swait.ge [sflag:s12], $0x3E80  }
0x27: {  	[sflag:s12] =	ssyncset.done $0x0  }
0x28: {  	s30 =	simm.s32 $0x100;
	[sflag:s12] =	ssyncadd.s32 $0xFFFFC180  }
0x29: {  	[tilespmem:s15], [sflag:$0x1] =	stream.indirect.gather [hbm4b:s4+s14], $0x80, s30, s14, $0xb8;
	[tilespmem:$0x1E800] =	vst v63  }
0x2a: {  	_ =	swait.ge [sflag:s19], $0x3E80  }
0x2b: {  	[sflag:s19] =	ssyncset.done $0x0  }
0x2c: {  	s31 =	simm.s32 $0x1480;
	[sflag:s19] =	ssyncadd.s32 $0xFFFFC180  }
0x2d: {  	[spmem:s2] =	stream.indirect.scatter.add.f32 [tilespmem:s17], [sflag:$0x3], $0x80, s31, s14, $0xb8;
	[tilespmem:$0x1E800] =	vst v63  }
0x2e: {  	_ =	swait.ge [sflag:s12], $0x3E80  }
0x2f: {  	[sflag:s12] =	ssyncset.done $0x0  }
0x30: {  	s26 =	simm.s32 $0x180;
	s25 =	simm.s32 $0x400;
	[sflag:s12] =	ssyncadd.s32 $0xFFFFC180  }
.LBB2_2:
0x31: {  	[tilespmem:s17], [sflag:$0x2] =	stream.indirect.gather [hbm4b:s4+s14], $0x80, s26, s14, $0xb8;
	[tilespmem:$0x1E800] =	vst v63  }
0x32: {  	s26 =	smov.u32 s25  }
0x33: {  	p0 =	sne.s32 s25, $0x4800;
	s25 =	sadd.s32 $0x400, s25;
	_ =	swait.ge [sflag:s18], $0x3E80  }
0x34: {  	s26 =	sshra.s32 s26, $0x2;
	[sflag:s18] =	ssyncset.done $0x0  }
0x35: {  	s28 =	sadd.s32 $0x1400, s26;
	[sflag:s18] =	ssyncadd.s32 $0xFFFFC180  }
0x36: {  	[spmem:s2] =	stream.indirect.scatter.add.f32 [tilespmem:s15], [sflag:$0x3], $0x80, s28, s14, $0xb8;
	[tilespmem:$0x1E800] =	vst v63  }
0x37: {  	_ =	swait.ge [sflag:s12], $0x3E80  }
0x38: {  	[sflag:s12] =	ssyncset.done $0x0  }
0x39: {  	s28 =	sadd.s32 $0x100, s26;
	[sflag:s12] =	ssyncadd.s32 $0xFFFFC180  }
0x3a: {  	[tilespmem:s15], [sflag:$0x1] =	stream.indirect.gather [hbm4b:s4+s14], $0x80, s28, s14, $0xb8;
	[tilespmem:$0x1E800] =	vst v63  }
0x3b: {  	_ =	swait.ge [sflag:s19], $0x3E80  }
0x3c: {  	[sflag:s19] =	ssyncset.done $0x0  }
.Ltmp0:
0x3d: {  	s28 =	sadd.s32 $0x1480, s26;
	[sflag:s19] =	ssyncadd.s32 $0xFFFFC180;
	(pc) =	sbr.rel @p0 .LBB2_2-.Ltmp0, $4  }
0x3e: {  	[spmem:s2] =	stream.indirect.scatter.add.f32 [tilespmem:s17], [sflag:$0x3], $0x80, s28, s14, $0xb8;
	[tilespmem:$0x1E800] =	vst v63  }
0x3f: {  	_ =	swait.ge [sflag:s12], $0x3E80  }
0x40: {  	[sflag:s12] =	ssyncset.done $0x0  }
0x41: {  	s26 =	sadd.s32 $0x180, s26;
	[sflag:s12] =	ssyncadd.s32 $0xFFFFC180  }
0x42: {  	[tilespmem:s17], [sflag:$0x2] =	stream.indirect.gather [hbm4b:s4+s14], $0x80, s26, s14, $0xb8;
	[tilespmem:$0x1E800] =	vst v63  }
0x43: {  	_ =	swait.ge [sflag:s18], $0x3E80  }
0x44: {  	[sflag:s18] =	ssyncset.done $0x0  }
0x45: {  	[sflag:s18] =	ssyncadd.s32 $0xFFFFC180  }
0x46: {  	[spmem:s2] =	stream.indirect.scatter.add.f32 [tilespmem:s15], [sflag:$0x3], $0x80, s20, s14, $0xb8;
	[tilespmem:$0x1E800] =	vst v63  }
0x47: {  	_ =	swait.ge [sflag:s12], $0x3E80  }
0x48: {  	[sflag:s12] =	ssyncset.done $0x0  }
0x49: {  	[sflag:s12] =	ssyncadd.s32 $0xFFFFC180  }
0x4a: {  	_ =	swait.ge [sflag:s19], $0x3E80  }
0x4b: {  	[sflag:s19] =	ssyncset.done $0x0  }
0x4c: {  	[sflag:s19] =	ssyncadd.s32 $0xFFFFC180  }
0x4d: {  	[spmem:s2] =	stream.indirect.scatter.add.f32 [tilespmem:s17], [sflag:$0x3], $0x80, s21, s14, $0xb8;
	[tilespmem:$0x1E800] =	vst v63  }
0x4e: {  	_ =	swait.ge [sflag:s12], $0x3E80  }
0x4f: {  	[sflag:s12] =	ssyncset.done $0x0  }
0x50: {  	s25 =	simm.s32 $0x0;
	[sflag:s12] =	ssyncadd.s32 $0xFFFFC180  }
0x51: {  	[tilespmem:s25], [sflag:$0x3] =	stream.linear.gather [hbm4b:s22+s25], $0x1400, $0x38;
	[tilespmem:$0x1E800] =	vst v63  }
0x52: {  	_ =	swait.ge [sflag:s12], $0x1400  }
0x53: {  	[sflag:s12] =	ssyncset.done $0x0  }
0x54: {  	[sflag:s12] =	ssyncadd.s32 $0xFFFFEC00  }
0x55: {  	[tilespmem:s13], [sflag:$0x3] =	stream.linear.gather [hbm4b:s23+s25], $0x1400, $0x38;
	[tilespmem:$0x1E800] =	vst v63  }
0x56: {  	_ =	swait.ge [sflag:s12], $0x1400  }
0x57: {  	[sflag:s12] =	ssyncset.done $0x0  }
0x58: {  	[sflag:s12] =	ssyncadd.s32 $0xFFFFEC00  }
0x59: {  	[tilespmem:s15], [sflag:$0x1] =	stream.indirect.gather [hbm4b:s4+s14], $0x80, s25, s14, $0xb8;
	[tilespmem:$0x1E800] =	vst v63  }
0x5a: {  	_ = 	snop  }
0x5b: {  	[tilespmem:s17], [sflag:$0x2] =	stream.indirect.gather [hbm4b:s4+s14], $0x80, s16, s14, $0xb8;
	[tilespmem:$0x1E800] =	vst v63  }
0x5c: {  	_ =	swait.ge [sflag:s18], $0x3E80  }
0x5d: {  	[sflag:s18] =	ssyncset.done $0x0  }
0x5e: {  	s29 =	simm.s32 $0x1400;
	[sflag:s18] =	ssyncadd.s32 $0xFFFFC180  }
0x5f: {  	[spmem:s2] =	stream.indirect.scatter.add.f32 [tilespmem:s15], [sflag:$0x3], $0x80, s29, s14, $0xb8;
	[tilespmem:$0x1E800] =	vst v63  }
0x60: {  	_ =	swait.ge [sflag:s12], $0x3E80  }
0x61: {  	[sflag:s12] =	ssyncset.done $0x0  }
0x62: {  	s30 =	simm.s32 $0x100;
	[sflag:s12] =	ssyncadd.s32 $0xFFFFC180  }
0x63: {  	[tilespmem:s15], [sflag:$0x1] =	stream.indirect.gather [hbm4b:s4+s14], $0x80, s30, s14, $0xb8;
	[tilespmem:$0x1E800] =	vst v63  }
0x64: {  	_ =	swait.ge [sflag:s19], $0x3E80  }
0x65: {  	[sflag:s19] =	ssyncset.done $0x0  }
0x66: {  	s31 =	simm.s32 $0x1480;
	[sflag:s19] =	ssyncadd.s32 $0xFFFFC180  }
0x67: {  	[spmem:s2] =	stream.indirect.scatter.add.f32 [tilespmem:s17], [sflag:$0x3], $0x80, s31, s14, $0xb8;
	[tilespmem:$0x1E800] =	vst v63  }
0x68: {  	_ =	swait.ge [sflag:s12], $0x3E80  }
0x69: {  	[sflag:s12] =	ssyncset.done $0x0  }
0x6a: {  	s26 =	simm.s32 $0x180;
	s25 =	simm.s32 $0x400;
	[sflag:s12] =	ssyncadd.s32 $0xFFFFC180  }
.LBB2_4:
0x6b: {  	[tilespmem:s17], [sflag:$0x2] =	stream.indirect.gather [hbm4b:s4+s14], $0x80, s26, s14, $0xb8;
	[tilespmem:$0x1E800] =	vst v63  }
0x6c: {  	s26 =	smov.u32 s25  }
0x6d: {  	p0 =	sne.s32 s25, $0x4800;
	s25 =	sadd.s32 $0x400, s25;
	_ =	swait.ge [sflag:s18], $0x3E80  }
0x6e: {  	s26 =	sshra.s32 s26, $0x2;
	[sflag:s18] =	ssyncset.done $0x0  }
0x6f: {  	s28 =	sadd.s32 $0x1400, s26;
	[sflag:s18] =	ssyncadd.s32 $0xFFFFC180  }
0x70: {  	[spmem:s2] =	stream.indirect.scatter.add.f32 [tilespmem:s15], [sflag:$0x3], $0x80, s28, s14, $0xb8;
	[tilespmem:$0x1E800] =	vst v63  }
0x71: {  	_ =	swait.ge [sflag:s12], $0x3E80  }
0x72: {  	[sflag:s12] =	ssyncset.done $0x0  }
0x73: {  	s28 =	sadd.s32 $0x100, s26;
	[sflag:s12] =	ssyncadd.s32 $0xFFFFC180  }
0x74: {  	[tilespmem:s15], [sflag:$0x1] =	stream.indirect.gather [hbm4b:s4+s14], $0x80, s28, s14, $0xb8;
	[tilespmem:$0x1E800] =	vst v63  }
0x75: {  	_ =	swait.ge [sflag:s19], $0x3E80  }
0x76: {  	[sflag:s19] =	ssyncset.done $0x0  }
.Ltmp1:
0x77: {  	s28 =	sadd.s32 $0x1480, s26;
	[sflag:s19] =	ssyncadd.s32 $0xFFFFC180;
	(pc) =	sbr.rel @p0 .LBB2_4-.Ltmp1, $4  }
0x78: {  	[spmem:s2] =	stream.indirect.scatter.add.f32 [tilespmem:s17], [sflag:$0x3], $0x80, s28, s14, $0xb8;
	[tilespmem:$0x1E800] =	vst v63  }
0x79: {  	_ =	swait.ge [sflag:s12], $0x3E80  }
0x7a: {  	[sflag:s12] =	ssyncset.done $0x0  }
0x7b: {  	s26 =	sadd.s32 $0x180, s26;
	[sflag:s12] =	ssyncadd.s32 $0xFFFFC180  }
0x7c: {  	[tilespmem:s17], [sflag:$0x2] =	stream.indirect.gather [hbm4b:s4+s14], $0x80, s26, s14, $0xb8;
	[tilespmem:$0x1E800] =	vst v63  }
0x7d: {  	_ =	swait.ge [sflag:s18], $0x3E80  }
0x7e: {  	[sflag:s18] =	ssyncset.done $0x0  }
0x7f: {  	[sflag:s18] =	ssyncadd.s32 $0xFFFFC180  }
0x80: {  	[spmem:s2] =	stream.indirect.scatter.add.f32 [tilespmem:s15], [sflag:$0x3], $0x80, s20, s14, $0xb8;
	[tilespmem:$0x1E800] =	vst v63  }
0x81: {  	_ =	swait.ge [sflag:s12], $0x3E80  }
0x82: {  	[sflag:s12] =	ssyncset.done $0x0  }
0x83: {  	[sflag:s12] =	ssyncadd.s32 $0xFFFFC180  }
0x84: {  	_ =	swait.ge [sflag:s19], $0x3E80  }
0x85: {  	[sflag:s19] =	ssyncset.done $0x0  }
0x86: {  	[sflag:s19] =	ssyncadd.s32 $0xFFFFC180  }
0x87: {  	[spmem:s2] =	stream.indirect.scatter.add.f32 [tilespmem:s17], [sflag:$0x3], $0x80, s21, s14, $0xb8;
	[tilespmem:$0x1E800] =	vst v63  }
0x88: {  	_ =	swait.ge [sflag:s12], $0x3E80  }
0x89: {  	s24 =	sadd.s32 $0x1, s24;
	[sflag:s12] =	ssyncset.done $0x0  }
0x8a: {  	p0 =	sne.s32 s24, s10;
	[sflag:s12] =	ssyncadd.s32 $0xFFFFC180  }
.Ltmp2:
0x8b: {  	[bflag:$0x0] =	sbarrier.arrive $0xFFFF;
	(pc) =	sbr.rel @p0 .LBB2_1-.Ltmp2, $4  }
0x8c: {  	[hbm:s9], [sflag:s6] =	dma.local [spmem:s11], $0x2800  }
0x8d: {  	_ =	swait.ge [sflag:s12], $0x2800  }
0x8e: {  	[sflag:s12] =	ssyncset.done $0x0  }
0x8f: {  	[sflag:s12] =	ssyncadd.s32 $0xFFFFD800  }
0x90: {  	_ =	sfence.sel $0x180000  }
0x91: {  	[bflag:$0x0] =	sbarrier.arrive $0xFFFF  }
0x92: {  	p0 =	sne.s32 s0, $0x0;
	_ =	strace $0x9000004A  }
0x93: {  	s0 =	sadd.s32 @!p0 $0x100000, s1;
	[bflag:$0x2] =	sbarrier.arrive $0xFFFF  }
0x94: {  	[sflag:s0] =	ssyncadd.tile.s32 @!p0 $0x1;
	_ =	shalt  }
.Lfunc_end2:
_tile_overlayer_lowered:
.L_overlay_start_2:
0x95: {  	(tag) =	ssettag $0x2  }
0x96: {  	s0 =	rddreg [dreg:$0x0];
	s2 =	stileid.u32  }
0x97: {  	s1 =	rddreg [dreg:$0x1];
	p0 =	sne.s32 s2, $0x0  }
0x98: {  	s3 =	rddreg [dreg:$0x2];
	[bflag:$0x3] =	sbarrier.arrive $0xFFFF;
	s2 =	simm.s32 @!p0 $0x1C03  }
0x99: {  	[timem:s3], [sflag:s2] =	dma.local @!p0 [hbm:s0], s1  }
0x9a: {  	s0 =	simm.s32 @!p0 $0x3  }
0x9b: {  	_ =	swait.ge @!p0 [sflag:s0], s1  }
0x9c: {  	s1 =	ssub.s32 @!p0 $0x0, s1;
	[sflag:s0] =	ssyncset.done @!p0 $0x0  }
0x9d: {  	[sflag:s0] =	ssyncadd.s32 @!p0 s1  }
0x9e: {  	[bflag:$0x3] =	sbarrier.arrive $0xFFFF  }
0x9f: {  	_ =	shalt  }

// kernel: kernel.8.cloned.1.call-start
scs
__scs_entry_jumppad:
0x0: {  	(pc) =	sbr.rel $0x88, $3  }
0x1: {  	(tag) =	ssettag $0x0;
	lr =	simm.s32 $0x1  }
0x2: {  	[smem:$0x3F98] =	sst lr;
	_ =	strace $0xD0000000  }
0x3: {  	_ = 	snop  }
0x4: {  	_ = 	snop  }
0x5: {  	_ = 	snop  }
0x6: {  	_ = 	snop  }
0x7: {  	_ = 	snop  }
__scs_overlays_trampoline_lowered:
0x8: {  	[smem:$0x3FA7] =	sst s0  }
0x9: {  	[smem:$0x3FA8] =	sst s1  }
0xa: {  	[smem:$0x3FA9] =	sst s2  }
0xb: {  	[smem:$0x3FAA] =	sst s3  }
0xc: {  	[smem:$0x3FAB] =	sst s4  }
0xd: {  	[smem:$0x3FAC] =	sst s5  }
0xe: {  	[smem:$0x3FAD] =	sst s6  }
0xf: {  	[smem:$0x3FAE] =	sst s7  }
0x10: {  	[smem:$0x3FAF] =	sst s8  }
0x11: {  	[smem:$0x3FB0] =	sst s9;
	s0 =	simm.s32 @!p0 $0x0  }
0x12: {  	s1 =	sld [smem:$0x3F96];
	s0 =	simm.s32 @p0 $0x1  }
0x13: {  	[smem:$0x3FB1] =	sst s0;
	s0 =	simm.s32 @!p1 $0x0  }
0x14: {  	s2 =	sld [smem:$0x3F95];
	s0 =	simm.s32 @p1 $0x1  }
0x15: {  	[smem:$0x3FB2] =	sst s0;
	s0 =	simm.s32 @!p2 $0x0  }
0x16: {  	s3 =	sld [smem:$0x3FDB];
	s0 =	simm.s32 @p2 $0x1  }
0x17: {  	s4 =	simm.s32 $0x1BF5;
	[smem:$0x3FB4] =	sst s0  }
0x18: {  	s0 =	sld [smem:$0x3F97];
	_ =	swait.ge [sflag:s4], $0x0  }
0x19: {  	s7 =	sld [smem:$0x3F98]  }
0x1a: {  	s8 =	sadd.s32 $0xFFFFE003, lr  }
0x1b: {  	s9 =	sadd.s32 $0xFFFFFEF7, lr;
	s5 =	simm.s32 $0xFFFFFFFF;
	p2 =	slt.u32 s8, $0xFFFFF086  }
0x1c: {  	p1 =	slt.u32 s9, $0xF7A;
	s5 =	simm.s32 @!p2 $0x0  }
0x1d: {  	s5 =	simm.s32 @p1 $0x1;
	p0 =	seq.s32 s7, s2  }
0x1e: {  	s7 =	smul.u32 @!p0 $0xF7A, s2;
	p2 =	seq.s32 @!p0 s5, $0x0  }
0x1f: {  	s9 =	smul.u32 $0xF7A, s1;
	s8 =	simm.s32 @!p0 $0x1BF5;
	p2 =	por !p2, p0  }
0x20: {  	[sflag:s8] =	ssyncset.s32 @!p0 $0xFFFFF086;
	s6 =	sadd.s32 @!p0 s3, s7;
	s7 =	simm.s32 @!p0 $0x108  }
0x21: {  	s3 =	sadd.s32 s3, s9;
	s6 =	sadd.s32 @!p0 $0x88, s6;
	s7 =	simm.s32 @p2 $0x1082  }
0x22: {  	[simem:s7], [sflag:s8] =	dma.local @!p0 [hbm:s6], $0xF7A  }
0x23: {  	s9 =	sor.u32 $0xD0000000, s2;
	s6 =	simm.s32 $0x108;
	_ =	swait.ge @!p0 [sflag:s8], $0x0  }
0x24: {  	s3 =	sadd.s32 $0x88, s3;
	s6 =	simm.s32 @!p1 $0x1082;
	[sflag:s4] =	ssyncset.s32 $0xFFFFF086  }
0x25: {  	[simem:s6], [sflag:s4] =	dma.local [hbm:s3], $0xF7A  }
0x26: {  	[smem:$0x3F98] =	sst s1;
	(tag) =	ssettag s2;
	_ =	strace s9  }
0x27: {  	s1 =	sld [smem:$0x3FA8]  }
0x28: {  	s2 =	sld [smem:$0x3FA9]  }
0x29: {  	s4 =	sld [smem:$0x3FAB]  }
0x2a: {  	p0 =	seq.s32 s5, $0x0;
	s5 =	sld [smem:$0x3FAC]  }
0x2b: {  	s6 =	sld [smem:$0x3FAD]  }
0x2c: {  	s7 =	sld [smem:$0x3FAE]  }
0x2d: {  	s3 =	simm.s32 $0x108;
	s8 =	sld [smem:$0x3FAF]  }
0x2e: {  	s3 =	simm.s32 @!p0 $0x1082;
	s9 =	sld [smem:$0x3FB0]  }
0x2f: {  	lr =	sadd.s32 s0, s3;
	s0 =	sld [smem:$0x3FA7]  }
0x30: {  	s3 =	sld [smem:$0x3FAA]  }
0x31: {  	[smem:$0x3FB3] =	sst s10  }
0x32: {  	s10 =	sld [smem:$0x3FB1];
	_ =	sdelay $0x3  }
0x33: {  	p0 =	seq.s32 s10, $0x1;
	s10 =	sld [smem:$0x3FB3];
	_ =	sdelay $0x3  }
0x34: {  	[smem:$0x3FB3] =	sst s10  }
0x35: {  	s10 =	sld [smem:$0x3FB2];
	_ =	sdelay $0x3  }
0x36: {  	p1 =	seq.s32 s10, $0x1;
	s10 =	sld [smem:$0x3FB3];
	_ =	sdelay $0x3  }
0x37: {  	[smem:$0x3FB3] =	sst s10  }
0x38: {  	s10 =	sld [smem:$0x3FB4]  }
0x39: {  	_ = 	snop;
	(pc) =	sbr.ind lr, $3  }
0x3a: {  	_ = 	snop  }
0x3b: {  	_ = 	snop  }
0x3c: {  	p2 =	seq.s32 s10, $0x1;
	s10 =	sld [smem:$0x3FB3]  }
0x3d: {  	_ =	shalt  }
0x3e: {  	_ =	shalt  }
0x3f: {  	_ =	shalt  }
0x40: {  	_ =	shalt  }
0x41: {  	_ =	shalt  }
0x42: {  	_ =	shalt  }
0x43: {  	_ =	shalt  }
0x44: {  	_ =	shalt  }
0x45: {  	_ =	shalt  }
0x46: {  	_ =	shalt  }
0x47: {  	_ =	shalt  }
0x48: {  	_ =	shalt  }
0x49: {  	_ =	shalt  }
0x4a: {  	_ =	shalt  }
0x4b: {  	_ =	shalt  }
0x4c: {  	_ =	shalt  }
0x4d: {  	_ =	shalt  }
0x4e: {  	_ =	shalt  }
0x4f: {  	_ =	shalt  }
0x50: {  	_ =	shalt  }
0x51: {  	_ =	shalt  }
0x52: {  	_ =	shalt  }
0x53: {  	_ =	shalt  }
0x54: {  	_ =	shalt  }
0x55: {  	_ =	shalt  }
0x56: {  	_ =	shalt  }
0x57: {  	_ =	shalt  }
0x58: {  	_ =	shalt  }
0x59: {  	_ =	shalt  }
0x5a: {  	_ =	shalt  }
0x5b: {  	_ =	shalt  }
0x5c: {  	_ =	shalt  }
0x5d: {  	_ =	shalt  }
0x5e: {  	_ =	shalt  }
0x5f: {  	_ =	shalt  }
0x60: {  	_ =	shalt  }
0x61: {  	_ =	shalt  }
0x62: {  	_ =	shalt  }
0x63: {  	_ =	shalt  }
0x64: {  	_ =	shalt  }
0x65: {  	_ =	shalt  }
0x66: {  	_ =	shalt  }
0x67: {  	_ =	shalt  }
0x68: {  	_ =	shalt  }
0x69: {  	_ =	shalt  }
0x6a: {  	_ =	shalt  }
0x6b: {  	_ =	shalt  }
0x6c: {  	_ =	shalt  }
0x6d: {  	_ =	shalt  }
0x6e: {  	_ =	shalt  }
0x6f: {  	_ =	shalt  }
0x70: {  	_ =	shalt  }
0x71: {  	_ =	shalt  }
0x72: {  	_ =	shalt  }
0x73: {  	_ =	shalt  }
0x74: {  	_ =	shalt  }
0x75: {  	_ =	shalt  }
0x76: {  	_ =	shalt  }
0x77: {  	_ =	shalt  }
0x78: {  	_ =	shalt  }
0x79: {  	_ =	shalt  }
0x7a: {  	_ =	shalt  }
0x7b: {  	_ =	shalt  }
0x7c: {  	_ =	shalt  }
0x7d: {  	_ =	shalt  }
0x7e: {  	_ =	shalt  }
0x7f: {  	_ =	shalt  }
0x80: {  	_ =	shalt  }
0x81: {  	_ =	shalt  }
0x82: {  	_ =	shalt  }
0x83: {  	_ =	shalt  }
0x84: {  	_ =	shalt  }
0x85: {  	_ =	shalt  }
0x86: {  	_ =	shalt  }
0x87: {  	_ =	shalt  }
.Lfunc_end0:
.L_simem_size_0:
called_computation_lowered:
.L_overlay_start_0:
0x88: {  	s2 =	sld [smem:$0x3FD9]  }
0x89: {  	s3 =	sld [smem:$0x3FFE];
	_ =	sdelay $0x1  }
0x8a: {  	s1 =	srdreg.scid  }
0x8b: {  	s0 =	sand.u32 $0x1, s1  }
0x8c: {  	s17 =	sshll.u32 s0, $0xA;
	s2 =	sadd.s32 s3, s2  }
0x8d: {  	s2 =	sadd.s32 s2, s17  }
0x8e: {  	[smem:$0x3FBF] =	sst s2  }
0x8f: {  	_ = 	snop  }
0x90: {  	s2 =	sld [smem:$0x3FD0];
	(tm) =	ssettm $0x1  }
0x91: {  	s18 =	sld [smem:$0x3FFB];
	_ =	sdelay $0x3  }
0x92: {  	_ =	strace s18  }
0x93: {  	s3 =	sld [smem:$0x3FFC];
	_ =	sdelay $0x3  }
0x94: {  	_ =	strace s3  }
0x95: {  	s3 =	sld [smem:$0x3FFD];
	_ =	sdelay $0x3  }
0x96: {  	_ =	strace s3  }
0x97: {  	_ =	strace $0x8FFFFFFF  }
0x98: {  	s19 =	sld [smem:$0x3FDB];
	_ =	sdelay $0x1  }
0x99: {  	s4 =	simm.s32 $_scs_section_size  }
0x9a: {  	s5 =	simm.s32 $_size__tile_overlayer_lowered;
	s6 =	simm.s32 $_tile_overlayer_lowered  }
0x9b: {  	s22 =	simm.s32 $0x1BFF;
	s21 =	sshll.u32 s6, $0x1;
	s3 =	sadd.s32 s4, s19  }
0x9c: {  	s7 =	simm.s32 $0x0;
	s20 =	sshll.u32 s5, $0x1;
	s5 =	sadd.s32 s21, s3  }
0x9d: {  	[timem:s7], [sflag:s22] =	dma.local [hbm:s5], s20  }
0x9e: {  	_ =	swait.ge [sflag:s22], s20  }
0x9f: {  	s4 =	ssub.s32 $0x0, s20;
	[sflag:s22] =	ssyncset.done $0x0  }
0xa0: {  	[sflag:s22] =	ssyncadd.s32 s4;
	_ =	sdelay $0x1  }
0xa1: {  	s23 =	simm.s32 $0x1B8B  }
0xa2: {  	_ =	swait.ge [sflag:s23], $0x1  }
0xa3: {  	[sflag:s23] =	ssyncset.done $0x0  }
0xa4: {  	s25 =	simm.s32 $0x1B8E;
	s24 =	sld [smem:$0x3FFE];
	[sflag:s23] =	ssyncadd.s32 $0xFFFFFFFF  }
0xa5: {  	s26 =	simm.s32 $execute0_lowered;
	[smem:$0x3FD2] =	sst s25  }
0xa6: {  	s5 =	sshll.u32 s26, $0x1;
	_ =	strace $0x80000046;
	[dreg:$0x1] =	wrdreg $0xFFFFFFFF  }
0xa7: {  	s28 =	simm.s32 $_size_execute0_lowered;
	s3 =	sadd.s32 s3, s5;
	[dreg:$0x0] =	wrdreg $0x0  }
0xa8: {  	s5 =	sshll.u32 s28, $0x1;
	[dreg:$0x2] =	wrdreg s3  }
0xa9: {  	[dreg:$0x3] =	wrdreg s5  }
0xaa: {  	[dreg:$0x4] =	wrdreg $0xC0  }
0xab: {  	_ =	task [dreg:s7], $0x5FFFF  }
0xac: {  	[dreg:$0x1] =	wrdreg $0xFFFFFFFF  }
0xad: {  	[dreg:$0x0] =	wrdreg $0x60  }
0xae: {  	[dreg:$0x2] =	wrdreg s24  }
0xaf: {  	[dreg:$0x3] =	wrdreg s2  }
0xb0: {  	[dreg:$0x4] =	wrdreg $0xA8000  }
0xb1: {  	[dreg:$0x5] =	wrdreg $0x9  }
0xb2: {  	_ =	task.clear_ibuf [dreg:s7], $0x6FFFF;
	_ =	strace $0x90000046  }
0xb3: {  	s29 =	simm.s32 $0x9;
	_ =	strace $0x80000048  }
0xb4: {  	_ =	swait.ge [sflag:s29], $0x1  }
0xb5: {  	[sflag:s29] =	ssyncadd.s32 $0xFFFFFFFF  }
0xb6: {  	_ =	strace $0x90000048  }
0xb7: {  	_ =	sfence  }
0xb8: {  	s30 =	sld [smem:$0x0];
	_ =	sdelay $0x2  }
0xb9: {  	s31 =	sshll.u32 s1, $0xD;
	s1 =	sshrl.u32 s1, $0x2  }
0xba: {  	s3 =	sand.u32 $0x4000, s31;
	s1 =	sadd.s32 s1, s30  }
0xbb: {  	s0 =	sor.u32 s3, s0;
	s1 =	sshll.u32 s1, $0x11  }
0xbc: {  	s0 =	sor.u32 s1, s0  }
0xbd: {  	s0 =	sadd.s32 $0x8F2B, s0  }
0xbe: {  	[sflag:s0] =	ssyncadd.remote.s32 $0x1  }
0xbf: {  	_ =	sfence.sel $0xFFFF  }
0xc0: {  	[dreg:$0x0] =	wrdreg $0xFFFFFFFF;
	(pc) =	sbr.abs _section_cstart, $3  }
0xc1: {  	[dreg:$0x1] =	wrdreg $0xFFFFFFFF  }
0xc2: {  	_ =	task.clear_ibuf [dreg:s7], $0x2FFFF;
	_ =	strace $0x9FFFFFFF  }
0xc3: {  	(tm) =	ssettm $0x7FFFFFFF  }
tec
execute0_lowered:
.L_overlay_start_1:
0x0: {  	(tag) =	ssettag $0x1  }
0x1: {  	s1 =	srdreg.scid;
	s5 =	rddreg [dreg:$0x0]  }
0x2: {  	s0 =	stileid.u32;
	s7 =	rddreg [dreg:$0x1]  }
0x3: {  	s2 =	rddreg [dreg:$0x2];
	s3 =	simm.s32 $0x0;
	s15 =	simm.s32 $0x2800  }
0x4: {  	s16 =	simm.s32 $0x80;
	s17 =	simm.s32 $0x6800;
	s18 =	simm.s32 $0x1  }
0x5: {  	s19 =	simm.s32 $0x2;
	s20 =	simm.s32 $0x2700;
	s21 =	simm.s32 $0x2780  }
0x6: {  	s24 =	simm.s32 $0x0;
	s6 =	sand.u32 $0x1, s1;
	s9 =	smul.u32 $0x14000, s0  }
0x7: {  	s26 =	sshll.u32 s0, $0x1;
	[smem:$0x7FF] =	sst s3;
	s28 =	smul.u32 $0x50000, s0  }
0x8: {  	s4 =	sadd.s32 $0xBC00, s5;
	s1 =	sor.u32 s6, s26;
	s10 =	smul.u32 $0x140000, s6  }
0x9: {  	s31 =	sshll.u32 s0, $0x6;
	s6 =	ssub.s32 $0x2, s6;
	s8 =	smul.u32 $0x500, s1  }
0xa: {  	s1 =	rddreg [dreg:$0x3];
	_ =	strace $0x80000047;
	s12 =	sshrl.u32 s9, $0x3  }
0xb: {  	s29 =	sshrl.u32 s6, $0x1;
	s30 =	sshrl.u32 s28, $0x2;
	s9 =	sadd.s32 s9, s10  }
0xc: {  	s12 =	sadd.s32 s12, s5;
	s13 =	ssub.s32 s6, s29;
	s14 =	sadd.s32 s30, s2  }
0xd: {  	s6 =	sor.u32 $0x1C03, s31;
	s11 =	sadd.s32 s8, s5;
	s9 =	sshrl.u32 s9, $0x3  }
0xe: {  	s7 =	sadd.s32 s7, s8;
	s10 =	smax.u32 s13, $0x1;
	s13 =	simm.s32 $0x1400  }
0xf: {  	s9 =	sadd.s32 s9, s5;
	s5 =	sadd.s32 $0x144400, s12;
	s8 =	sadd.s32 $0x1C00, s11  }
0x10: {  	s11 =	sshrl.u32 s14, $0x3;
	s12 =	simm.s32 $0x3;
	s14 =	simm.s32 $0x7D  }
0x11: {  	s22 =	sadd.s32 $0x280, s7;
	s9 =	sadd.s32 $0x16C400, s9;
	s23 =	sadd.s32 $0x280, s8  }
.LBB2_1:
0x12: {  	[spmem:s11], [sflag:s6] =	dma.local [hbm:s5], $0x2800  }
0x13: {  	_ =	swait.ge [sflag:s12], $0x2800  }
0x14: {  	[sflag:s12] =	ssyncset.done $0x0  }
0x15: {  	[sflag:s12] =	ssyncadd.s32 $0xFFFFD800  }
0x16: {  	[bflag:$0x0] =	sbarrier.arrive $0xFFFF  }
0x17: {  	[tilespmem:s3], [sflag:$0x3] =	stream.linear.gather [hbm4b:s7+s3], $0x1400, $0x38;
	[tilespmem:$0x1E800] =	vst v63  }
0x18: {  	_ =	swait.ge [sflag:s12], $0x1400  }
0x19: {  	[sflag:s12] =	ssyncset.done $0x0  }
0x1a: {  	[sflag:s12] =	ssyncadd.s32 $0xFFFFEC00  }
0x1b: {  	[tilespmem:s13], [sflag:$0x3] =	stream.linear.gather [hbm4b:s8+s3], $0x1400, $0x38;
	[tilespmem:$0x1E800] =	vst v63  }
0x1c: {  	_ =	swait.ge [sflag:s12], $0x1400  }
0x1d: {  	[sflag:s12] =	ssyncset.done $0x0  }
0x1e: {  	[sflag:s12] =	ssyncadd.s32 $0xFFFFEC00  }
0x1f: {  	[tilespmem:s15], [sflag:$0x1] =	stream.indirect.gather [hbm4b:s4+s14], $0x80, s3, s14, $0xb8;
	[tilespmem:$0x1E800] =	vst v63  }
0x20: {  	_ = 	snop  }
0x21: {  	[tilespmem:s17], [sflag:$0x2] =	stream.indirect.gather [hbm4b:s4+s14], $0x80, s16, s14, $0xb8;
	[tilespmem:$0x1E800] =	vst v63  }
0x22: {  	_ =	swait.ge [sflag:s18], $0x3E80  }
0x23: {  	[sflag:s18] =	ssyncset.done $0x0  }
0x24: {  	s25 =	simm.s32 $0x1400;
	[sflag:s18] =	ssyncadd.s32 $0xFFFFC180  }
0x25: {  	[spmem:s2] =	stream.indirect.scatter.add.f32 [tilespmem:s15], [sflag:$0x3], $0x80, s25, s14, $0xb8;
	[tilespmem:$0x1E800] =	vst v63  }
0x26: {  	_ =	swait.ge [sflag:s12], $0x3E80  }
0x27: {  	[sflag:s12] =	ssyncset.done $0x0  }
0x28: {  	s30 =	simm.s32 $0x100;
	[sflag:s12] =	ssyncadd.s32 $0xFFFFC180  }
0x29: {  	[tilespmem:s15], [sflag:$0x1] =	stream.indirect.gather [hbm4b:s4+s14], $0x80, s30, s14, $0xb8;
	[tilespmem:$0x1E800] =	vst v63  }
0x2a: {  	_ =	swait.ge [sflag:s19], $0x3E80  }
0x2b: {  	[sflag:s19] =	ssyncset.done $0x0  }
0x2c: {  	s31 =	simm.s32 $0x1480;
	[sflag:s19] =	ssyncadd.s32 $0xFFFFC180  }
0x2d: {  	[spmem:s2] =	stream.indirect.scatter.add.f32 [tilespmem:s17], [sflag:$0x3], $0x80, s31, s14, $0xb8;
	[tilespmem:$0x1E800] =	vst v63  }
0x2e: {  	_ =	swait.ge [sflag:s12], $0x3E80  }
0x2f: {  	[sflag:s12] =	ssyncset.done $0x0  }
0x30: {  	s26 =	simm.s32 $0x180;
	s25 =	simm.s32 $0x400;
	[sflag:s12] =	ssyncadd.s32 $0xFFFFC180  }
.LBB2_2:
0x31: {  	[tilespmem:s17], [sflag:$0x2] =	stream.indirect.gather [hbm4b:s4+s14], $0x80, s26, s14, $0xb8;
	[tilespmem:$0x1E800] =	vst v63  }
0x32: {  	s26 =	smov.u32 s25  }
0x33: {  	p0 =	sne.s32 s25, $0x4800;
	s25 =	sadd.s32 $0x400, s25;
	_ =	swait.ge [sflag:s18], $0x3E80  }
0x34: {  	s26 =	sshra.s32 s26, $0x2;
	[sflag:s18] =	ssyncset.done $0x0  }
0x35: {  	s28 =	sadd.s32 $0x1400, s26;
	[sflag:s18] =	ssyncadd.s32 $0xFFFFC180  }
0x36: {  	[spmem:s2] =	stream.indirect.scatter.add.f32 [tilespmem:s15], [sflag:$0x3], $0x80, s28, s14, $0xb8;
	[tilespmem:$0x1E800] =	vst v63  }
0x37: {  	_ =	swait.ge [sflag:s12], $0x3E80  }
0x38: {  	[sflag:s12] =	ssyncset.done $0x0  }
0x39: {  	s28 =	sadd.s32 $0x100, s26;
	[sflag:s12] =	ssyncadd.s32 $0xFFFFC180  }
0x3a: {  	[tilespmem:s15], [sflag:$0x1] =	stream.indirect.gather [hbm4b:s4+s14], $0x80, s28, s14, $0xb8;
	[tilespmem:$0x1E800] =	vst v63  }
0x3b: {  	_ =	swait.ge [sflag:s19], $0x3E80  }
0x3c: {  	[sflag:s19] =	ssyncset.done $0x0  }
.Ltmp0:
0x3d: {  	s28 =	sadd.s32 $0x1480, s26;
	[sflag:s19] =	ssyncadd.s32 $0xFFFFC180;
	(pc) =	sbr.rel @p0 .LBB2_2-.Ltmp0, $4  }
0x3e: {  	[spmem:s2] =	stream.indirect.scatter.add.f32 [tilespmem:s17], [sflag:$0x3], $0x80, s28, s14, $0xb8;
	[tilespmem:$0x1E800] =	vst v63  }
0x3f: {  	_ =	swait.ge [sflag:s12], $0x3E80  }
0x40: {  	[sflag:s12] =	ssyncset.done $0x0  }
0x41: {  	s26 =	sadd.s32 $0x180, s26;
	[sflag:s12] =	ssyncadd.s32 $0xFFFFC180  }
0x42: {  	[tilespmem:s17], [sflag:$0x2] =	stream.indirect.gather [hbm4b:s4+s14], $0x80, s26, s14, $0xb8;
	[tilespmem:$0x1E800] =	vst v63  }
0x43: {  	_ =	swait.ge [sflag:s18], $0x3E80  }
0x44: {  	[sflag:s18] =	ssyncset.done $0x0  }
0x45: {  	[sflag:s18] =	ssyncadd.s32 $0xFFFFC180  }
0x46: {  	[spmem:s2] =	stream.indirect.scatter.add.f32 [tilespmem:s15], [sflag:$0x3], $0x80, s20, s14, $0xb8;
	[tilespmem:$0x1E800] =	vst v63  }
0x47: {  	_ =	swait.ge [sflag:s12], $0x3E80  }
0x48: {  	[sflag:s12] =	ssyncset.done $0x0  }
0x49: {  	[sflag:s12] =	ssyncadd.s32 $0xFFFFC180  }
0x4a: {  	_ =	swait.ge [sflag:s19], $0x3E80  }
0x4b: {  	[sflag:s19] =	ssyncset.done $0x0  }
0x4c: {  	[sflag:s19] =	ssyncadd.s32 $0xFFFFC180  }
0x4d: {  	[spmem:s2] =	stream.indirect.scatter.add.f32 [tilespmem:s17], [sflag:$0x3], $0x80, s21, s14, $0xb8;
	[tilespmem:$0x1E800] =	vst v63  }
0x4e: {  	_ =	swait.ge [sflag:s12], $0x3E80  }
0x4f: {  	[sflag:s12] =	ssyncset.done $0x0  }
0x50: {  	s25 =	simm.s32 $0x0;
	[sflag:s12] =	ssyncadd.s32 $0xFFFFC180  }
0x51: {  	[tilespmem:s25], [sflag:$0x3] =	stream.linear.gather [hbm4b:s22+s25], $0x1400, $0x38;
	[tilespmem:$0x1E800] =	vst v63  }
0x52: {  	_ =	swait.ge [sflag:s12], $0x1400  }
0x53: {  	[sflag:s12] =	ssyncset.done $0x0  }
0x54: {  	[sflag:s12] =	ssyncadd.s32 $0xFFFFEC00  }
0x55: {  	[tilespmem:s13], [sflag:$0x3] =	stream.linear.gather [hbm4b:s23+s25], $0x1400, $0x38;
	[tilespmem:$0x1E800] =	vst v63  }
0x56: {  	_ =	swait.ge [sflag:s12], $0x1400  }
0x57: {  	[sflag:s12] =	ssyncset.done $0x0  }
0x58: {  	[sflag:s12] =	ssyncadd.s32 $0xFFFFEC00  }
0x59: {  	[tilespmem:s15], [sflag:$0x1] =	stream.indirect.gather [hbm4b:s4+s14], $0x80, s25, s14, $0xb8;
	[tilespmem:$0x1E800] =	vst v63  }
0x5a: {  	_ = 	snop  }
0x5b: {  	[tilespmem:s17], [sflag:$0x2] =	stream.indirect.gather [hbm4b:s4+s14], $0x80, s16, s14, $0xb8;
	[tilespmem:$0x1E800] =	vst v63  }
0x5c: {  	_ =	swait.ge [sflag:s18], $0x3E80  }
0x5d: {  	[sflag:s18] =	ssyncset.done $0x0  }
0x5e: {  	s29 =	simm.s32 $0x1400;
	[sflag:s18] =	ssyncadd.s32 $0xFFFFC180  }
0x5f: {  	[spmem:s2] =	stream.indirect.scatter.add.f32 [tilespmem:s15], [sflag:$0x3], $0x80, s29, s14, $0xb8;
	[tilespmem:$0x1E800] =	vst v63  }
0x60: {  	_ =	swait.ge [sflag:s12], $0x3E80  }
0x61: {  	[sflag:s12] =	ssyncset.done $0x0  }
0x62: {  	s30 =	simm.s32 $0x100;
	[sflag:s12] =	ssyncadd.s32 $0xFFFFC180  }
0x63: {  	[tilespmem:s15], [sflag:$0x1] =	stream.indirect.gather [hbm4b:s4+s14], $0x80, s30, s14, $0xb8;
	[tilespmem:$0x1E800] =	vst v63  }
0x64: {  	_ =	swait.ge [sflag:s19], $0x3E80  }
0x65: {  	[sflag:s19] =	ssyncset.done $0x0  }
0x66: {  	s31 =	simm.s32 $0x1480;
	[sflag:s19] =	ssyncadd.s32 $0xFFFFC180  }
0x67: {  	[spmem:s2] =	stream.indirect.scatter.add.f32 [tilespmem:s17], [sflag:$0x3], $0x80, s31, s14, $0xb8;
	[tilespmem:$0x1E800] =	vst v63  }
0x68: {  	_ =	swait.ge [sflag:s12], $0x3E80  }
0x69: {  	[sflag:s12] =	ssyncset.done $0x0  }
0x6a: {  	s26 =	simm.s32 $0x180;
	s25 =	simm.s32 $0x400;
	[sflag:s12] =	ssyncadd.s32 $0xFFFFC180  }
.LBB2_4:
0x6b: {  	[tilespmem:s17], [sflag:$0x2] =	stream.indirect.gather [hbm4b:s4+s14], $0x80, s26, s14, $0xb8;
	[tilespmem:$0x1E800] =	vst v63  }
0x6c: {  	s26 =	smov.u32 s25  }
0x6d: {  	p0 =	sne.s32 s25, $0x4800;
	s25 =	sadd.s32 $0x400, s25;
	_ =	swait.ge [sflag:s18], $0x3E80  }
0x6e: {  	s26 =	sshra.s32 s26, $0x2;
	[sflag:s18] =	ssyncset.done $0x0  }
0x6f: {  	s28 =	sadd.s32 $0x1400, s26;
	[sflag:s18] =	ssyncadd.s32 $0xFFFFC180  }
0x70: {  	[spmem:s2] =	stream.indirect.scatter.add.f32 [tilespmem:s15], [sflag:$0x3], $0x80, s28, s14, $0xb8;
	[tilespmem:$0x1E800] =	vst v63  }
0x71: {  	_ =	swait.ge [sflag:s12], $0x3E80  }
0x72: {  	[sflag:s12] =	ssyncset.done $0x0  }
0x73: {  	s28 =	sadd.s32 $0x100, s26;
	[sflag:s12] =	ssyncadd.s32 $0xFFFFC180  }
0x74: {  	[tilespmem:s15], [sflag:$0x1] =	stream.indirect.gather [hbm4b:s4+s14], $0x80, s28, s14, $0xb8;
	[tilespmem:$0x1E800] =	vst v63  }
0x75: {  	_ =	swait.ge [sflag:s19], $0x3E80  }
0x76: {  	[sflag:s19] =	ssyncset.done $0x0  }
.Ltmp1:
0x77: {  	s28 =	sadd.s32 $0x1480, s26;
	[sflag:s19] =	ssyncadd.s32 $0xFFFFC180;
	(pc) =	sbr.rel @p0 .LBB2_4-.Ltmp1, $4  }
0x78: {  	[spmem:s2] =	stream.indirect.scatter.add.f32 [tilespmem:s17], [sflag:$0x3], $0x80, s28, s14, $0xb8;
	[tilespmem:$0x1E800] =	vst v63  }
0x79: {  	_ =	swait.ge [sflag:s12], $0x3E80  }
0x7a: {  	[sflag:s12] =	ssyncset.done $0x0  }
0x7b: {  	s26 =	sadd.s32 $0x180, s26;
	[sflag:s12] =	ssyncadd.s32 $0xFFFFC180  }
0x7c: {  	[tilespmem:s17], [sflag:$0x2] =	stream.indirect.gather [hbm4b:s4+s14], $0x80, s26, s14, $0xb8;
	[tilespmem:$0x1E800] =	vst v63  }
0x7d: {  	_ =	swait.ge [sflag:s18], $0x3E80  }
0x7e: {  	[sflag:s18] =	ssyncset.done $0x0  }
0x7f: {  	[sflag:s18] =	ssyncadd.s32 $0xFFFFC180  }
0x80: {  	[spmem:s2] =	stream.indirect.scatter.add.f32 [tilespmem:s15], [sflag:$0x3], $0x80, s20, s14, $0xb8;
	[tilespmem:$0x1E800] =	vst v63  }
0x81: {  	_ =	swait.ge [sflag:s12], $0x3E80  }
0x82: {  	[sflag:s12] =	ssyncset.done $0x0  }
0x83: {  	[sflag:s12] =	ssyncadd.s32 $0xFFFFC180  }
0x84: {  	_ =	swait.ge [sflag:s19], $0x3E80  }
0x85: {  	[sflag:s19] =	ssyncset.done $0x0  }
0x86: {  	[sflag:s19] =	ssyncadd.s32 $0xFFFFC180  }
0x87: {  	[spmem:s2] =	stream.indirect.scatter.add.f32 [tilespmem:s17], [sflag:$0x3], $0x80, s21, s14, $0xb8;
	[tilespmem:$0x1E800] =	vst v63  }
0x88: {  	_ =	swait.ge [sflag:s12], $0x3E80  }
0x89: {  	s24 =	sadd.s32 $0x1, s24;
	[sflag:s12] =	ssyncset.done $0x0  }
0x8a: {  	p0 =	sne.s32 s24, s10;
	[sflag:s12] =	ssyncadd.s32 $0xFFFFC180  }
.Ltmp2:
0x8b: {  	[bflag:$0x0] =	sbarrier.arrive $0xFFFF;
	(pc) =	sbr.rel @p0 .LBB2_1-.Ltmp2, $4  }
0x8c: {  	[hbm:s9], [sflag:s6] =	dma.local [spmem:s11], $0x2800  }
0x8d: {  	_ =	swait.ge [sflag:s12], $0x2800  }
0x8e: {  	[sflag:s12] =	ssyncset.done $0x0  }
0x8f: {  	[sflag:s12] =	ssyncadd.s32 $0xFFFFD800  }
0x90: {  	_ =	sfence.sel $0x180000  }
0x91: {  	[bflag:$0x0] =	sbarrier.arrive $0xFFFF  }
0x92: {  	p0 =	sne.s32 s0, $0x0;
	_ =	strace $0x90000047  }
0x93: {  	s0 =	sadd.s32 @!p0 $0x100000, s1;
	[bflag:$0x2] =	sbarrier.arrive $0xFFFF  }
0x94: {  	[sflag:s0] =	ssyncadd.tile.s32 @!p0 $0x1;
	_ =	shalt  }
.Lfunc_end2:
_tile_overlayer_lowered:
.L_overlay_start_2:
0x95: {  	(tag) =	ssettag $0x2  }
0x96: {  	s0 =	rddreg [dreg:$0x0];
	s2 =	stileid.u32  }
0x97: {  	s1 =	rddreg [dreg:$0x1];
	p0 =	sne.s32 s2, $0x0  }
0x98: {  	s3 =	rddreg [dreg:$0x2];
	[bflag:$0x3] =	sbarrier.arrive $0xFFFF;
	s2 =	simm.s32 @!p0 $0x1C03  }
0x99: {  	[timem:s3], [sflag:s2] =	dma.local @!p0 [hbm:s0], s1  }
0x9a: {  	s0 =	simm.s32 @!p0 $0x3  }
0x9b: {  	_ =	swait.ge @!p0 [sflag:s0], s1  }
0x9c: {  	s1 =	ssub.s32 @!p0 $0x0, s1;
	[sflag:s0] =	ssyncset.done @!p0 $0x0  }
0x9d: {  	[sflag:s0] =	ssyncadd.s32 @!p0 s1  }
0x9e: {  	[bflag:$0x3] =	sbarrier.arrive $0xFFFF  }
0x9f: {  	_ =	shalt  }

</sc_bundles>
